<compile_context>
chip_gen: v7x
topology: tpu7x:2x2x1
jax: 0.10.2.dev20260603
libtpu: 0.0.44.dev20260713+nightly
codegen_flags: <defaults>
</compile_context>

<pallas_src>
import functools

import jax
import jax.numpy as jnp
from jax import lax
from jax.experimental import pallas as pl
from jax.experimental.pallas import tpu as pltpu
from jax.experimental.pallas import tpu_sc as plsc

VOCAB = 100000
EMBED = 64
BATCH = 1024
CTX = 50

NC, NS, L = 2, 16, 16
NW = NC * NS
ROWS_PER_W = BATCH // NW
IDX_PER_W = ROWS_PER_W * CTX
GCHUNK = 80
NCHUNK = IDX_PER_W // GCHUNK

VBLK = 2048
NV = (VOCAB + VBLK - 1) // VBLK


def _sc_hidden_body(table_hbm, idx_hbm, hid_hbm, idx_v, rows_v, hid_v, sem):
    wid = lax.axis_index("s") * NC + lax.axis_index("c")
    pltpu.sync_copy(idx_hbm.at[wid], idx_v)
    handles = []
    for c in range(NCHUNK):
        handles.append(
            pltpu.async_copy(
                table_hbm.at[idx_v.at[c]],
                rows_v.at[pl.ds(c * GCHUNK, GCHUNK)],
                sem,
            )
        )
    for h in handles:
        h.wait()

    inv = jnp.float32(1.0 / CTX)

    def row_body(r, carry):
        def j_body(j, accs):
            b = r * CTX + j
            return tuple(
                accs[c] + rows_v[b, pl.ds(c * L, L)] for c in range(EMBED // L)
            )

        zeros = tuple(
            jnp.zeros((L,), jnp.float32) for _ in range(EMBED // L)
        )
        accs = lax.fori_loop(0, CTX, j_body, zeros)
        for c in range(EMBED // L):
            hid_v[r, pl.ds(c * L, L)] = accs[c] * inv
        return carry

    lax.fori_loop(0, ROWS_PER_W, row_body, 0)
    pltpu.sync_copy(hid_v, hid_hbm.at[pl.ds(wid * ROWS_PER_W, ROWS_PER_W)])


@functools.cache
def _sc_hidden():
    return pl.kernel(
        _sc_hidden_body,
        out_type=jax.ShapeDtypeStruct((BATCH, EMBED), jnp.float32),
        mesh=plsc.VectorSubcoreMesh(
            core_axis_name="c",
            subcore_axis_name="s",
            num_cores=NC,
            num_subcores=NS,
        ),
        scratch_types=[
            pltpu.VMEM((NCHUNK, GCHUNK), jnp.int32),
            pltpu.VMEM((IDX_PER_W, EMBED), jnp.float32),
            pltpu.VMEM((ROWS_PER_W, EMBED), jnp.float32),
            pltpu.SemaphoreType.DMA,
        ],
        compiler_params=pltpu.CompilerParams(use_tc_tiling_on_sc=False),
    )


def _fused_body(hid_ref, w_ref, b_ref, raw_ref, m_ref, s_ref):
    vb = pl.program_id(0)

    @pl.when(vb == 0)
    def _():
        m_ref[...] = jnp.full((BATCH, 1), -1e30, jnp.float32)
        s_ref[...] = jnp.zeros((BATCH, 1), jnp.float32)

    h = hid_ref[...].astype(jnp.bfloat16)
    w = w_ref[...].astype(jnp.bfloat16)
    logits = lax.dot_general(
        h, w, (((1,), (1,)), ((), ())), preferred_element_type=jnp.float32
    )
    logits = logits + b_ref[...]
    raw_ref[...] = logits.astype(jnp.bfloat16)[None]
    col = lax.broadcasted_iota(jnp.int32, (1, VBLK), 1) + vb * VBLK
    logits = jnp.where(col < VOCAB, logits, -jnp.inf)
    tmax = jnp.max(logits, axis=1, keepdims=True)
    tsum = jnp.sum(jnp.exp(logits - tmax), axis=1, keepdims=True)
    m_old = m_ref[...]
    m_new = jnp.maximum(m_old, tmax)
    s_ref[...] = s_ref[...] * jnp.exp(m_old - m_new) + tsum * jnp.exp(
        tmax - m_new
    )
    m_ref[...] = m_new


def kernel(inputs, emb_table, out_W, out_b):
    idx = inputs.reshape(NW, NCHUNK, GCHUNK)
    hidden = _sc_hidden()(emb_table, idx)

    hid_spec = pl.BlockSpec((BATCH, EMBED), lambda v: (0, 0))
    w_spec = pl.BlockSpec((VBLK, EMBED), lambda v: (v, 0))
    b_spec = pl.BlockSpec((1, VBLK), lambda v: (0, v))
    ms_spec = pl.BlockSpec((BATCH, 1), lambda v: (0, 0))

    raw, m, sum_exp = pl.pallas_call(
        _fused_body,
        grid=(NV,),
        in_specs=[hid_spec, w_spec, b_spec],
        out_specs=[
            pl.BlockSpec((1, BATCH, VBLK), lambda v: (v, 0, 0)),
            ms_spec,
            ms_spec,
        ],
        out_shape=[
            jax.ShapeDtypeStruct((NV, BATCH, VBLK), jnp.bfloat16),
            jax.ShapeDtypeStruct((BATCH, 1), jnp.float32),
            jax.ShapeDtypeStruct((BATCH, 1), jnp.float32),
        ],
        compiler_params=pltpu.CompilerParams(
            dimension_semantics=("arbitrary",)
        ),
    )(hidden, out_W, out_b.reshape(1, VOCAB))

    return _finalize(raw, m, sum_exp)


def _finalize(raw3d, m, sum_exp):
    lse = m + jnp.log(sum_exp)
    full = raw3d.transpose(1, 0, 2).reshape(BATCH, NV * VBLK)
    return full[:, :VOCAB].astype(jnp.float32) - lse

# --- scband reference (transcript-rebuilt; emitter-appended) ---
"""Pipeline reference for scband-cbow-model-13494787244183 (READ-ONLY COPY).

The authoritative reference and input builder live on the scoring server;
editing this copy changes nothing except your own understanding.
"""

import jax, jax.numpy as jnp
import numpy as np

VOCAB = 100000
EMBED = 64
BATCH = 1024
CTX = 50


def setup_inputs(seed: int = 0) -> dict:
    key = jax.random.key(seed)
    k1, k2, k3 = jax.random.split(key, 3)
    inputs = jax.random.randint(k1, (BATCH, CTX), 0, VOCAB, dtype=jnp.int32)
    # learned parameters per init_kwargs
    emb_table = jax.random.normal(k2, (VOCAB, EMBED), dtype=jnp.float32) * 0.02
    out_W = jax.random.normal(k3, (VOCAB, EMBED), dtype=jnp.float32) * 0.02  # nn.Linear weight [out, in]
    out_b = jnp.zeros((VOCAB,), dtype=jnp.float32)
    return {"inputs": inputs, "emb_table": emb_table, "out_W": out_W, "out_b": out_b}


def reference(inputs, emb_table, out_W, out_b):
    # embeds = self.embeddings(inputs)
    embeds = jnp.take(emb_table, inputs, axis=0)          # [B, CTX, D]
    # hidden = embeds.mean(dim=1)
    hidden = jnp.mean(embeds, axis=1)                     # [B, D]
    # output = self.output(hidden)
    output = hidden @ out_W.T + out_b                     # [B, VOCAB]
    # log_probs = F.log_softmax(output, dim=1)
    log_probs = jax.nn.log_softmax(output, axis=1)
    return log_probs

if __name__ == "__main__":
    import jax
    _d = setup_inputs()
    print(jax.jit(kernel)(*tuple(_d.values())))

</pallas_src>

<mosaic_0001>
#map = affine_map<(d0, d1) -> (0, 0)>
#map1 = affine_map<(d0, d1) -> (0, 0, 0)>
module attributes {stable_mosaic.version = 14 : i64} {
  func.func @_sc_hidden_body(%arg0: i32, %arg1: i32, %arg2: memref<100000x64xf32, #tpu.memory_space<hbm>>, %arg3: memref<32x20x80xi32, #tpu.memory_space<hbm>>, %arg4: memref<1024x64xf32, #tpu.memory_space<hbm>>, %arg5: memref<20x80xi32, #tpu.memory_space<vmem>>, %arg6: memref<1600x64xf32, #tpu.memory_space<vmem>>, %arg7: memref<32x64xf32, #tpu.memory_space<vmem>>, %arg8: memref<!tpu.dma_semaphore, #tpu.memory_space<semaphore_mem>>) attributes {dimension_semantics = [#tpu.dimension_semantics<core_parallel>, #tpu.dimension_semantics<subcore_parallel>], iteration_bounds = array<i64: 2, 16>, scalar_prefetch = 0 : i64, scratch_operands = 4 : i64, tpu.core_type = #tpu.core_type<sc_vector_subcore>, window_params = [{transform_indices = #map}, {transform_indices = #map1}, {transform_indices = #map}]} {
    %mul3A = arith.constant 2 : i32
    %mul3A_0 = arith.muli %arg1, %mul3A : i32
    %add3A = arith.addi %mul3A_0, %arg0 : i32
    "tpu.region"() ({
      %run_scoped3A = tpu.sem_alloc : memref<!tpu.dma_semaphore, #tpu.memory_space<semaphore_mem>>
      %dma_start3A_407 = arith.constant 0 : i32
      %dma_start3A_408 = arith.constant 0 : i32
      %dma_start3A_409 = tpu.memref_slice %arg3[%add3A, %dma_start3A_407, %dma_start3A_408] : memref<32x20x80xi32, #tpu.memory_space<hbm>> -> memref<1x20x80xi32, #tpu.memory_space<hbm>>
      %dma_start3A_410 = tpu.memref_squeeze %dma_start3A_409 : memref<1x20x80xi32, #tpu.memory_space<hbm>> -> memref<20x80xi32, #tpu.memory_space<hbm>>
      %dma_start3A_411 = arith.constant 0 : i32
      %dma_start3A_412 = arith.constant 0 : i32
      %dma_start3A_413 = tpu.memref_slice %arg3[%add3A, %dma_start3A_411, %dma_start3A_412] : memref<32x20x80xi32, #tpu.memory_space<hbm>> -> memref<1x20x80xi32, #tpu.memory_space<hbm>>
      %dma_start3A_414 = tpu.memref_squeeze %dma_start3A_413 : memref<1x20x80xi32, #tpu.memory_space<hbm>> -> memref<20x80xi32, #tpu.memory_space<hbm>>
      tpu.enqueue_dma source(%dma_start3A_414 : memref<20x80xi32, #tpu.memory_space<hbm>>) target(%arg5 : memref<20x80xi32, #tpu.memory_space<vmem>>) target_semaphore(%run_scoped3A : memref<!tpu.dma_semaphore, #tpu.memory_space<semaphore_mem>>)
      %dma_wait3A_415 = arith.constant 0 : i32
      %dma_wait3A_416 = arith.constant 0 : i32
      %dma_wait3A_417 = tpu.memref_slice %arg3[%add3A, %dma_wait3A_415, %dma_wait3A_416] : memref<32x20x80xi32, #tpu.memory_space<hbm>> -> memref<1x20x80xi32, #tpu.memory_space<hbm>>
      %dma_wait3A_418 = tpu.memref_squeeze %dma_wait3A_417 : memref<1x20x80xi32, #tpu.memory_space<hbm>> -> memref<20x80xi32, #tpu.memory_space<hbm>>
      %dma_wait3A_419 = arith.constant 0 : i32
      %dma_wait3A_420 = arith.constant 0 : i32
      %dma_wait3A_421 = tpu.memref_slice %arg3[%add3A, %dma_wait3A_419, %dma_wait3A_420] : memref<32x20x80xi32, #tpu.memory_space<hbm>> -> memref<1x20x80xi32, #tpu.memory_space<hbm>>
      %dma_wait3A_422 = tpu.memref_squeeze %dma_wait3A_421 : memref<1x20x80xi32, #tpu.memory_space<hbm>> -> memref<20x80xi32, #tpu.memory_space<hbm>>
      tpu.wait_dma2 semaphore(%run_scoped3A : memref<!tpu.dma_semaphore, #tpu.memory_space<semaphore_mem>>) src(%dma_wait3A_422 : memref<20x80xi32, #tpu.memory_space<hbm>>) dst(%arg5 : memref<20x80xi32, #tpu.memory_space<vmem>>)
      tpu.yield
    }) : () -> ()
    %dma_start3A = arith.constant 0 : i32
    %dma_start3A_1 = arith.constant 0 : i32
    %dma_start3A_2 = arith.constant 0 : i32
    %dma_start3A_3 = tpu.memref_slice %arg6[%dma_start3A_1, %dma_start3A_2] : memref<1600x64xf32, #tpu.memory_space<vmem>> -> memref<80x64xf32, #tpu.memory_space<vmem>>
    %dma_start3A_4 = arith.constant 0 : i32
    %dma_start3A_5 = tpu.memref_slice %arg5[%dma_start3A, %dma_start3A_4] : memref<20x80xi32, #tpu.memory_space<vmem>> -> memref<1x80xi32, #tpu.memory_space<vmem>>
    %dma_start3A_6 = tpu.memref_squeeze %dma_start3A_5 : memref<1x80xi32, #tpu.memory_space<vmem>> -> memref<80xi32, #tpu.memory_space<vmem>>
    %dma_start3A_7 = arith.constant 0 : i32
    %dma_start3A_8 = arith.constant 0 : i32
    %dma_start3A_9 = tpu.memref_slice %arg2[%dma_start3A_7, %dma_start3A_8] : memref<100000x64xf32, #tpu.memory_space<hbm>> -> memref<100000x64xf32, #tpu.memory_space<hbm>>
    tpu.enqueue_indirect_dma source(%dma_start3A_9 : memref<100000x64xf32, #tpu.memory_space<hbm>>) target(%dma_start3A_3 : memref<80x64xf32, #tpu.memory_space<vmem>>) offsets(%dma_start3A_6 : memref<80xi32, #tpu.memory_space<vmem>>) semaphore(%arg8 : memref<!tpu.dma_semaphore, #tpu.memory_space<semaphore_mem>>)
    %dma_start3A_10 = arith.constant 1 : i32
    %dma_start3A_11 = arith.constant 80 : i32
    %dma_start3A_12 = arith.constant 0 : i32
    %dma_start3A_13 = tpu.memref_slice %arg6[%dma_start3A_11, %dma_start3A_12] : memref<1600x64xf32, #tpu.memory_space<vmem>> -> memref<80x64xf32, #tpu.memory_space<vmem>>
    %dma_start3A_14 = arith.constant 0 : i32
    %dma_start3A_15 = tpu.memref_slice %arg5[%dma_start3A_10, %dma_start3A_14] : memref<20x80xi32, #tpu.memory_space<vmem>> -> memref<1x80xi32, #tpu.memory_space<vmem>>
    %dma_start3A_16 = tpu.memref_squeeze %dma_start3A_15 : memref<1x80xi32, #tpu.memory_space<vmem>> -> memref<80xi32, #tpu.memory_space<vmem>>
    %dma_start3A_17 = arith.constant 0 : i32
    %dma_start3A_18 = arith.constant 0 : i32
    %dma_start3A_19 = tpu.memref_slice %arg2[%dma_start3A_17, %dma_start3A_18] : memref<100000x64xf32, #tpu.memory_space<hbm>> -> memref<100000x64xf32, #tpu.memory_space<hbm>>
    tpu.enqueue_indirect_dma source(%dma_start3A_19 : memref<100000x64xf32, #tpu.memory_space<hbm>>) target(%dma_start3A_13 : memref<80x64xf32, #tpu.memory_space<vmem>>) offsets(%dma_start3A_16 : memref<80xi32, #tpu.memory_space<vmem>>) semaphore(%arg8 : memref<!tpu.dma_semaphore, #tpu.memory_space<semaphore_mem>>)
    %dma_start3A_20 = arith.constant 2 : i32
    %dma_start3A_21 = arith.constant 160 : i32
    %dma_start3A_22 = arith.constant 0 : i32
    %dma_start3A_23 = tpu.memref_slice %arg6[%dma_start3A_21, %dma_start3A_22] : memref<1600x64xf32, #tpu.memory_space<vmem>> -> memref<80x64xf32, #tpu.memory_space<vmem>>
    %dma_start3A_24 = arith.constant 0 : i32
    %dma_start3A_25 = tpu.memref_slice %arg5[%dma_start3A_20, %dma_start3A_24] : memref<20x80xi32, #tpu.memory_space<vmem>> -> memref<1x80xi32, #tpu.memory_space<vmem>>
    %dma_start3A_26 = tpu.memref_squeeze %dma_start3A_25 : memref<1x80xi32, #tpu.memory_space<vmem>> -> memref<80xi32, #tpu.memory_space<vmem>>
    %dma_start3A_27 = arith.constant 0 : i32
    %dma_start3A_28 = arith.constant 0 : i32
    %dma_start3A_29 = tpu.memref_slice %arg2[%dma_start3A_27, %dma_start3A_28] : memref<100000x64xf32, #tpu.memory_space<hbm>> -> memref<100000x64xf32, #tpu.memory_space<hbm>>
    tpu.enqueue_indirect_dma source(%dma_start3A_29 : memref<100000x64xf32, #tpu.memory_space<hbm>>) target(%dma_start3A_23 : memref<80x64xf32, #tpu.memory_space<vmem>>) offsets(%dma_start3A_26 : memref<80xi32, #tpu.memory_space<vmem>>) semaphore(%arg8 : memref<!tpu.dma_semaphore, #tpu.memory_space<semaphore_mem>>)
    %dma_start3A_30 = arith.constant 3 : i32
    %dma_start3A_31 = arith.constant 240 : i32
    %dma_start3A_32 = arith.constant 0 : i32
    %dma_start3A_33 = tpu.memref_slice %arg6[%dma_start3A_31, %dma_start3A_32] : memref<1600x64xf32, #tpu.memory_space<vmem>> -> memref<80x64xf32, #tpu.memory_space<vmem>>
    %dma_start3A_34 = arith.constant 0 : i32
    %dma_start3A_35 = tpu.memref_slice %arg5[%dma_start3A_30, %dma_start3A_34] : memref<20x80xi32, #tpu.memory_space<vmem>> -> memref<1x80xi32, #tpu.memory_space<vmem>>
    %dma_start3A_36 = tpu.memref_squeeze %dma_start3A_35 : memref<1x80xi32, #tpu.memory_space<vmem>> -> memref<80xi32, #tpu.memory_space<vmem>>
    %dma_start3A_37 = arith.constant 0 : i32
    %dma_start3A_38 = arith.constant 0 : i32
    %dma_start3A_39 = tpu.memref_slice %arg2[%dma_start3A_37, %dma_start3A_38] : memref<100000x64xf32, #tpu.memory_space<hbm>> -> memref<100000x64xf32, #tpu.memory_space<hbm>>
    tpu.enqueue_indirect_dma source(%dma_start3A_39 : memref<100000x64xf32, #tpu.memory_space<hbm>>) target(%dma_start3A_33 : memref<80x64xf32, #tpu.memory_space<vmem>>) offsets(%dma_start3A_36 : memref<80xi32, #tpu.memory_space<vmem>>) semaphore(%arg8 : memref<!tpu.dma_semaphore, #tpu.memory_space<semaphore_mem>>)
    %dma_start3A_40 = arith.constant 4 : i32
    %dma_start3A_41 = arith.constant 320 : i32
    %dma_start3A_42 = arith.constant 0 : i32
    %dma_start3A_43 = tpu.memref_slice %arg6[%dma_start3A_41, %dma_start3A_42] : memref<1600x64xf32, #tpu.memory_space<vmem>> -> memref<80x64xf32, #tpu.memory_space<vmem>>
    %dma_start3A_44 = arith.constant 0 : i32
    %dma_start3A_45 = tpu.memref_slice %arg5[%dma_start3A_40, %dma_start3A_44] : memref<20x80xi32, #tpu.memory_space<vmem>> -> memref<1x80xi32, #tpu.memory_space<vmem>>
    %dma_start3A_46 = tpu.memref_squeeze %dma_start3A_45 : memref<1x80xi32, #tpu.memory_space<vmem>> -> memref<80xi32, #tpu.memory_space<vmem>>
    %dma_start3A_47 = arith.constant 0 : i32
    %dma_start3A_48 = arith.constant 0 : i32
    %dma_start3A_49 = tpu.memref_slice %arg2[%dma_start3A_47, %dma_start3A_48] : memref<100000x64xf32, #tpu.memory_space<hbm>> -> memref<100000x64xf32, #tpu.memory_space<hbm>>
    tpu.enqueue_indirect_dma source(%dma_start3A_49 : memref<100000x64xf32, #tpu.memory_space<hbm>>) target(%dma_start3A_43 : memref<80x64xf32, #tpu.memory_space<vmem>>) offsets(%dma_start3A_46 : memref<80xi32, #tpu.memory_space<vmem>>) semaphore(%arg8 : memref<!tpu.dma_semaphore, #tpu.memory_space<semaphore_mem>>)
    %dma_start3A_50 = arith.constant 5 : i32
    %dma_start3A_51 = arith.constant 400 : i32
    %dma_start3A_52 = arith.constant 0 : i32
    %dma_start3A_53 = tpu.memref_slice %arg6[%dma_start3A_51, %dma_start3A_52] : memref<1600x64xf32, #tpu.memory_space<vmem>> -> memref<80x64xf32, #tpu.memory_space<vmem>>
    %dma_start3A_54 = arith.constant 0 : i32
    %dma_start3A_55 = tpu.memref_slice %arg5[%dma_start3A_50, %dma_start3A_54] : memref<20x80xi32, #tpu.memory_space<vmem>> -> memref<1x80xi32, #tpu.memory_space<vmem>>
    %dma_start3A_56 = tpu.memref_squeeze %dma_start3A_55 : memref<1x80xi32, #tpu.memory_space<vmem>> -> memref<80xi32, #tpu.memory_space<vmem>>
    %dma_start3A_57 = arith.constant 0 : i32
    %dma_start3A_58 = arith.constant 0 : i32
    %dma_start3A_59 = tpu.memref_slice %arg2[%dma_start3A_57, %dma_start3A_58] : memref<100000x64xf32, #tpu.memory_space<hbm>> -> memref<100000x64xf32, #tpu.memory_space<hbm>>
    tpu.enqueue_indirect_dma source(%dma_start3A_59 : memref<100000x64xf32, #tpu.memory_space<hbm>>) target(%dma_start3A_53 : memref<80x64xf32, #tpu.memory_space<vmem>>) offsets(%dma_start3A_56 : memref<80xi32, #tpu.memory_space<vmem>>) semaphore(%arg8 : memref<!tpu.dma_semaphore, #tpu.memory_space<semaphore_mem>>)
    %dma_start3A_60 = arith.constant 6 : i32
    %dma_start3A_61 = arith.constant 480 : i32
    %dma_start3A_62 = arith.constant 0 : i32
    %dma_start3A_63 = tpu.memref_slice %arg6[%dma_start3A_61, %dma_start3A_62] : memref<1600x64xf32, #tpu.memory_space<vmem>> -> memref<80x64xf32, #tpu.memory_space<vmem>>
    %dma_start3A_64 = arith.constant 0 : i32
    %dma_start3A_65 = tpu.memref_slice %arg5[%dma_start3A_60, %dma_start3A_64] : memref<20x80xi32, #tpu.memory_space<vmem>> -> memref<1x80xi32, #tpu.memory_space<vmem>>
    %dma_start3A_66 = tpu.memref_squeeze %dma_start3A_65 : memref<1x80xi32, #tpu.memory_space<vmem>> -> memref<80xi32, #tpu.memory_space<vmem>>
    %dma_start3A_67 = arith.constant 0 : i32
    %dma_start3A_68 = arith.constant 0 : i32
    %dma_start3A_69 = tpu.memref_slice %arg2[%dma_start3A_67, %dma_start3A_68] : memref<100000x64xf32, #tpu.memory_space<hbm>> -> memref<100000x64xf32, #tpu.memory_space<hbm>>
    tpu.enqueue_indirect_dma source(%dma_start3A_69 : memref<100000x64xf32, #tpu.memory_space<hbm>>) target(%dma_start3A_63 : memref<80x64xf32, #tpu.memory_space<vmem>>) offsets(%dma_start3A_66 : memref<80xi32, #tpu.memory_space<vmem>>) semaphore(%arg8 : memref<!tpu.dma_semaphore, #tpu.memory_space<semaphore_mem>>)
    %dma_start3A_70 = arith.constant 7 : i32
    %dma_start3A_71 = arith.constant 560 : i32
    %dma_start3A_72 = arith.constant 0 : i32
    %dma_start3A_73 = tpu.memref_slice %arg6[%dma_start3A_71, %dma_start3A_72] : memref<1600x64xf32, #tpu.memory_space<vmem>> -> memref<80x64xf32, #tpu.memory_space<vmem>>
    %dma_start3A_74 = arith.constant 0 : i32
    %dma_start3A_75 = tpu.memref_slice %arg5[%dma_start3A_70, %dma_start3A_74] : memref<20x80xi32, #tpu.memory_space<vmem>> -> memref<1x80xi32, #tpu.memory_space<vmem>>
    %dma_start3A_76 = tpu.memref_squeeze %dma_start3A_75 : memref<1x80xi32, #tpu.memory_space<vmem>> -> memref<80xi32, #tpu.memory_space<vmem>>
    %dma_start3A_77 = arith.constant 0 : i32
    %dma_start3A_78 = arith.constant 0 : i32
    %dma_start3A_79 = tpu.memref_slice %arg2[%dma_start3A_77, %dma_start3A_78] : memref<100000x64xf32, #tpu.memory_space<hbm>> -> memref<100000x64xf32, #tpu.memory_space<hbm>>
    tpu.enqueue_indirect_dma source(%dma_start3A_79 : memref<100000x64xf32, #tpu.memory_space<hbm>>) target(%dma_start3A_73 : memref<80x64xf32, #tpu.memory_space<vmem>>) offsets(%dma_start3A_76 : memref<80xi32, #tpu.memory_space<vmem>>) semaphore(%arg8 : memref<!tpu.dma_semaphore, #tpu.memory_space<semaphore_mem>>)
    %dma_start3A_80 = arith.constant 8 : i32
    %dma_start3A_81 = arith.constant 640 : i32
    %dma_start3A_82 = arith.constant 0 : i32
    %dma_start3A_83 = tpu.memref_slice %arg6[%dma_start3A_81, %dma_start3A_82] : memref<1600x64xf32, #tpu.memory_space<vmem>> -> memref<80x64xf32, #tpu.memory_space<vmem>>
    %dma_start3A_84 = arith.constant 0 : i32
    %dma_start3A_85 = tpu.memref_slice %arg5[%dma_start3A_80, %dma_start3A_84] : memref<20x80xi32, #tpu.memory_space<vmem>> -> memref<1x80xi32, #tpu.memory_space<vmem>>
    %dma_start3A_86 = tpu.memref_squeeze %dma_start3A_85 : memref<1x80xi32, #tpu.memory_space<vmem>> -> memref<80xi32, #tpu.memory_space<vmem>>
    %dma_start3A_87 = arith.constant 0 : i32
    %dma_start3A_88 = arith.constant 0 : i32
    %dma_start3A_89 = tpu.memref_slice %arg2[%dma_start3A_87, %dma_start3A_88] : memref<100000x64xf32, #tpu.memory_space<hbm>> -> memref<100000x64xf32, #tpu.memory_space<hbm>>
    tpu.enqueue_indirect_dma source(%dma_start3A_89 : memref<100000x64xf32, #tpu.memory_space<hbm>>) target(%dma_start3A_83 : memref<80x64xf32, #tpu.memory_space<vmem>>) offsets(%dma_start3A_86 : memref<80xi32, #tpu.memory_space<vmem>>) semaphore(%arg8 : memref<!tpu.dma_semaphore, #tpu.memory_space<semaphore_mem>>)
    %dma_start3A_90 = arith.constant 9 : i32
    %dma_start3A_91 = arith.constant 720 : i32
    %dma_start3A_92 = arith.constant 0 : i32
    %dma_start3A_93 = tpu.memref_slice %arg6[%dma_start3A_91, %dma_start3A_92] : memref<1600x64xf32, #tpu.memory_space<vmem>> -> memref<80x64xf32, #tpu.memory_space<vmem>>
    %dma_start3A_94 = arith.constant 0 : i32
    %dma_start3A_95 = tpu.memref_slice %arg5[%dma_start3A_90, %dma_start3A_94] : memref<20x80xi32, #tpu.memory_space<vmem>> -> memref<1x80xi32, #tpu.memory_space<vmem>>
    %dma_start3A_96 = tpu.memref_squeeze %dma_start3A_95 : memref<1x80xi32, #tpu.memory_space<vmem>> -> memref<80xi32, #tpu.memory_space<vmem>>
    %dma_start3A_97 = arith.constant 0 : i32
    %dma_start3A_98 = arith.constant 0 : i32
    %dma_start3A_99 = tpu.memref_slice %arg2[%dma_start3A_97, %dma_start3A_98] : memref<100000x64xf32, #tpu.memory_space<hbm>> -> memref<100000x64xf32, #tpu.memory_space<hbm>>
    tpu.enqueue_indirect_dma source(%dma_start3A_99 : memref<100000x64xf32, #tpu.memory_space<hbm>>) target(%dma_start3A_93 : memref<80x64xf32, #tpu.memory_space<vmem>>) offsets(%dma_start3A_96 : memref<80xi32, #tpu.memory_space<vmem>>) semaphore(%arg8 : memref<!tpu.dma_semaphore, #tpu.memory_space<semaphore_mem>>)
    %dma_start3A_100 = arith.constant 10 : i32
    %dma_start3A_101 = arith.constant 800 : i32
    %dma_start3A_102 = arith.constant 0 : i32
    %dma_start3A_103 = tpu.memref_slice %arg6[%dma_start3A_101, %dma_start3A_102] : memref<1600x64xf32, #tpu.memory_space<vmem>> -> memref<80x64xf32, #tpu.memory_space<vmem>>
    %dma_start3A_104 = arith.constant 0 : i32
    %dma_start3A_105 = tpu.memref_slice %arg5[%dma_start3A_100, %dma_start3A_104] : memref<20x80xi32, #tpu.memory_space<vmem>> -> memref<1x80xi32, #tpu.memory_space<vmem>>
    %dma_start3A_106 = tpu.memref_squeeze %dma_start3A_105 : memref<1x80xi32, #tpu.memory_space<vmem>> -> memref<80xi32, #tpu.memory_space<vmem>>
    %dma_start3A_107 = arith.constant 0 : i32
    %dma_start3A_108 = arith.constant 0 : i32
    %dma_start3A_109 = tpu.memref_slice %arg2[%dma_start3A_107, %dma_start3A_108] : memref<100000x64xf32, #tpu.memory_space<hbm>> -> memref<100000x64xf32, #tpu.memory_space<hbm>>
    tpu.enqueue_indirect_dma source(%dma_start3A_109 : memref<100000x64xf32, #tpu.memory_space<hbm>>) target(%dma_start3A_103 : memref<80x64xf32, #tpu.memory_space<vmem>>) offsets(%dma_start3A_106 : memref<80xi32, #tpu.memory_space<vmem>>) semaphore(%arg8 : memref<!tpu.dma_semaphore, #tpu.memory_space<semaphore_mem>>)
    %dma_start3A_110 = arith.constant 11 : i32
    %dma_start3A_111 = arith.constant 880 : i32
    %dma_start3A_112 = arith.constant 0 : i32
    %dma_start3A_113 = tpu.memref_slice %arg6[%dma_start3A_111, %dma_start3A_112] : memref<1600x64xf32, #tpu.memory_space<vmem>> -> memref<80x64xf32, #tpu.memory_space<vmem>>
    %dma_start3A_114 = arith.constant 0 : i32
    %dma_start3A_115 = tpu.memref_slice %arg5[%dma_start3A_110, %dma_start3A_114] : memref<20x80xi32, #tpu.memory_space<vmem>> -> memref<1x80xi32, #tpu.memory_space<vmem>>
    %dma_start3A_116 = tpu.memref_squeeze %dma_start3A_115 : memref<1x80xi32, #tpu.memory_space<vmem>> -> memref<80xi32, #tpu.memory_space<vmem>>
    %dma_start3A_117 = arith.constant 0 : i32
    %dma_start3A_118 = arith.constant 0 : i32
    %dma_start3A_119 = tpu.memref_slice %arg2[%dma_start3A_117, %dma_start3A_118] : memref<100000x64xf32, #tpu.memory_space<hbm>> -> memref<100000x64xf32, #tpu.memory_space<hbm>>
    tpu.enqueue_indirect_dma source(%dma_start3A_119 : memref<100000x64xf32, #tpu.memory_space<hbm>>) target(%dma_start3A_113 : memref<80x64xf32, #tpu.memory_space<vmem>>) offsets(%dma_start3A_116 : memref<80xi32, #tpu.memory_space<vmem>>) semaphore(%arg8 : memref<!tpu.dma_semaphore, #tpu.memory_space<semaphore_mem>>)
    %dma_start3A_120 = arith.constant 12 : i32
    %dma_start3A_121 = arith.constant 960 : i32
    %dma_start3A_122 = arith.constant 0 : i32
    %dma_start3A_123 = tpu.memref_slice %arg6[%dma_start3A_121, %dma_start3A_122] : memref<1600x64xf32, #tpu.memory_space<vmem>> -> memref<80x64xf32, #tpu.memory_space<vmem>>
    %dma_start3A_124 = arith.constant 0 : i32
    %dma_start3A_125 = tpu.memref_slice %arg5[%dma_start3A_120, %dma_start3A_124] : memref<20x80xi32, #tpu.memory_space<vmem>> -> memref<1x80xi32, #tpu.memory_space<vmem>>
    %dma_start3A_126 = tpu.memref_squeeze %dma_start3A_125 : memref<1x80xi32, #tpu.memory_space<vmem>> -> memref<80xi32, #tpu.memory_space<vmem>>
    %dma_start3A_127 = arith.constant 0 : i32
    %dma_start3A_128 = arith.constant 0 : i32
    %dma_start3A_129 = tpu.memref_slice %arg2[%dma_start3A_127, %dma_start3A_128] : memref<100000x64xf32, #tpu.memory_space<hbm>> -> memref<100000x64xf32, #tpu.memory_space<hbm>>
    tpu.enqueue_indirect_dma source(%dma_start3A_129 : memref<100000x64xf32, #tpu.memory_space<hbm>>) target(%dma_start3A_123 : memref<80x64xf32, #tpu.memory_space<vmem>>) offsets(%dma_start3A_126 : memref<80xi32, #tpu.memory_space<vmem>>) semaphore(%arg8 : memref<!tpu.dma_semaphore, #tpu.memory_space<semaphore_mem>>)
    %dma_start3A_130 = arith.constant 13 : i32
    %dma_start3A_131 = arith.constant 1040 : i32
    %dma_start3A_132 = arith.constant 0 : i32
    %dma_start3A_133 = tpu.memref_slice %arg6[%dma_start3A_131, %dma_start3A_132] : memref<1600x64xf32, #tpu.memory_space<vmem>> -> memref<80x64xf32, #tpu.memory_space<vmem>>
    %dma_start3A_134 = arith.constant 0 : i32
    %dma_start3A_135 = tpu.memref_slice %arg5[%dma_start3A_130, %dma_start3A_134] : memref<20x80xi32, #tpu.memory_space<vmem>> -> memref<1x80xi32, #tpu.memory_space<vmem>>
    %dma_start3A_136 = tpu.memref_squeeze %dma_start3A_135 : memref<1x80xi32, #tpu.memory_space<vmem>> -> memref<80xi32, #tpu.memory_space<vmem>>
    %dma_start3A_137 = arith.constant 0 : i32
    %dma_start3A_138 = arith.constant 0 : i32
    %dma_start3A_139 = tpu.memref_slice %arg2[%dma_start3A_137, %dma_start3A_138] : memref<100000x64xf32, #tpu.memory_space<hbm>> -> memref<100000x64xf32, #tpu.memory_space<hbm>>
    tpu.enqueue_indirect_dma source(%dma_start3A_139 : memref<100000x64xf32, #tpu.memory_space<hbm>>) target(%dma_start3A_133 : memref<80x64xf32, #tpu.memory_space<vmem>>) offsets(%dma_start3A_136 : memref<80xi32, #tpu.memory_space<vmem>>) semaphore(%arg8 : memref<!tpu.dma_semaphore, #tpu.memory_space<semaphore_mem>>)
    %dma_start3A_140 = arith.constant 14 : i32
    %dma_start3A_141 = arith.constant 1120 : i32
    %dma_start3A_142 = arith.constant 0 : i32
    %dma_start3A_143 = tpu.memref_slice %arg6[%dma_start3A_141, %dma_start3A_142] : memref<1600x64xf32, #tpu.memory_space<vmem>> -> memref<80x64xf32, #tpu.memory_space<vmem>>
    %dma_start3A_144 = arith.constant 0 : i32
    %dma_start3A_145 = tpu.memref_slice %arg5[%dma_start3A_140, %dma_start3A_144] : memref<20x80xi32, #tpu.memory_space<vmem>> -> memref<1x80xi32, #tpu.memory_space<vmem>>
    %dma_start3A_146 = tpu.memref_squeeze %dma_start3A_145 : memref<1x80xi32, #tpu.memory_space<vmem>> -> memref<80xi32, #tpu.memory_space<vmem>>
    %dma_start3A_147 = arith.constant 0 : i32
    %dma_start3A_148 = arith.constant 0 : i32
    %dma_start3A_149 = tpu.memref_slice %arg2[%dma_start3A_147, %dma_start3A_148] : memref<100000x64xf32, #tpu.memory_space<hbm>> -> memref<100000x64xf32, #tpu.memory_space<hbm>>
    tpu.enqueue_indirect_dma source(%dma_start3A_149 : memref<100000x64xf32, #tpu.memory_space<hbm>>) target(%dma_start3A_143 : memref<80x64xf32, #tpu.memory_space<vmem>>) offsets(%dma_start3A_146 : memref<80xi32, #tpu.memory_space<vmem>>) semaphore(%arg8 : memref<!tpu.dma_semaphore, #tpu.memory_space<semaphore_mem>>)
    %dma_start3A_150 = arith.constant 15 : i32
    %dma_start3A_151 = arith.constant 1200 : i32
    %dma_start3A_152 = arith.constant 0 : i32
    %dma_start3A_153 = tpu.memref_slice %arg6[%dma_start3A_151, %dma_start3A_152] : memref<1600x64xf32, #tpu.memory_space<vmem>> -> memref<80x64xf32, #tpu.memory_space<vmem>>
    %dma_start3A_154 = arith.constant 0 : i32
    %dma_start3A_155 = tpu.memref_slice %arg5[%dma_start3A_150, %dma_start3A_154] : memref<20x80xi32, #tpu.memory_space<vmem>> -> memref<1x80xi32, #tpu.memory_space<vmem>>
    %dma_start3A_156 = tpu.memref_squeeze %dma_start3A_155 : memref<1x80xi32, #tpu.memory_space<vmem>> -> memref<80xi32, #tpu.memory_space<vmem>>
    %dma_start3A_157 = arith.constant 0 : i32
    %dma_start3A_158 = arith.constant 0 : i32
    %dma_start3A_159 = tpu.memref_slice %arg2[%dma_start3A_157, %dma_start3A_158] : memref<100000x64xf32, #tpu.memory_space<hbm>> -> memref<100000x64xf32, #tpu.memory_space<hbm>>
    tpu.enqueue_indirect_dma source(%dma_start3A_159 : memref<100000x64xf32, #tpu.memory_space<hbm>>) target(%dma_start3A_153 : memref<80x64xf32, #tpu.memory_space<vmem>>) offsets(%dma_start3A_156 : memref<80xi32, #tpu.memory_space<vmem>>) semaphore(%arg8 : memref<!tpu.dma_semaphore, #tpu.memory_space<semaphore_mem>>)
    %dma_start3A_160 = arith.constant 16 : i32
    %dma_start3A_161 = arith.constant 1280 : i32
    %dma_start3A_162 = arith.constant 0 : i32
    %dma_start3A_163 = tpu.memref_slice %arg6[%dma_start3A_161, %dma_start3A_162] : memref<1600x64xf32, #tpu.memory_space<vmem>> -> memref<80x64xf32, #tpu.memory_space<vmem>>
    %dma_start3A_164 = arith.constant 0 : i32
    %dma_start3A_165 = tpu.memref_slice %arg5[%dma_start3A_160, %dma_start3A_164] : memref<20x80xi32, #tpu.memory_space<vmem>> -> memref<1x80xi32, #tpu.memory_space<vmem>>
    %dma_start3A_166 = tpu.memref_squeeze %dma_start3A_165 : memref<1x80xi32, #tpu.memory_space<vmem>> -> memref<80xi32, #tpu.memory_space<vmem>>
    %dma_start3A_167 = arith.constant 0 : i32
    %dma_start3A_168 = arith.constant 0 : i32
    %dma_start3A_169 = tpu.memref_slice %arg2[%dma_start3A_167, %dma_start3A_168] : memref<100000x64xf32, #tpu.memory_space<hbm>> -> memref<100000x64xf32, #tpu.memory_space<hbm>>
    tpu.enqueue_indirect_dma source(%dma_start3A_169 : memref<100000x64xf32, #tpu.memory_space<hbm>>) target(%dma_start3A_163 : memref<80x64xf32, #tpu.memory_space<vmem>>) offsets(%dma_start3A_166 : memref<80xi32, #tpu.memory_space<vmem>>) semaphore(%arg8 : memref<!tpu.dma_semaphore, #tpu.memory_space<semaphore_mem>>)
    %dma_start3A_170 = arith.constant 17 : i32
    %dma_start3A_171 = arith.constant 1360 : i32
    %dma_start3A_172 = arith.constant 0 : i32
    %dma_start3A_173 = tpu.memref_slice %arg6[%dma_start3A_171, %dma_start3A_172] : memref<1600x64xf32, #tpu.memory_space<vmem>> -> memref<80x64xf32, #tpu.memory_space<vmem>>
    %dma_start3A_174 = arith.constant 0 : i32
    %dma_start3A_175 = tpu.memref_slice %arg5[%dma_start3A_170, %dma_start3A_174] : memref<20x80xi32, #tpu.memory_space<vmem>> -> memref<1x80xi32, #tpu.memory_space<vmem>>
    %dma_start3A_176 = tpu.memref_squeeze %dma_start3A_175 : memref<1x80xi32, #tpu.memory_space<vmem>> -> memref<80xi32, #tpu.memory_space<vmem>>
    %dma_start3A_177 = arith.constant 0 : i32
    %dma_start3A_178 = arith.constant 0 : i32
    %dma_start3A_179 = tpu.memref_slice %arg2[%dma_start3A_177, %dma_start3A_178] : memref<100000x64xf32, #tpu.memory_space<hbm>> -> memref<100000x64xf32, #tpu.memory_space<hbm>>
    tpu.enqueue_indirect_dma source(%dma_start3A_179 : memref<100000x64xf32, #tpu.memory_space<hbm>>) target(%dma_start3A_173 : memref<80x64xf32, #tpu.memory_space<vmem>>) offsets(%dma_start3A_176 : memref<80xi32, #tpu.memory_space<vmem>>) semaphore(%arg8 : memref<!tpu.dma_semaphore, #tpu.memory_space<semaphore_mem>>)
    %dma_start3A_180 = arith.constant 18 : i32
    %dma_start3A_181 = arith.constant 1440 : i32
    %dma_start3A_182 = arith.constant 0 : i32
    %dma_start3A_183 = tpu.memref_slice %arg6[%dma_start3A_181, %dma_start3A_182] : memref<1600x64xf32, #tpu.memory_space<vmem>> -> memref<80x64xf32, #tpu.memory_space<vmem>>
    %dma_start3A_184 = arith.constant 0 : i32
    %dma_start3A_185 = tpu.memref_slice %arg5[%dma_start3A_180, %dma_start3A_184] : memref<20x80xi32, #tpu.memory_space<vmem>> -> memref<1x80xi32, #tpu.memory_space<vmem>>
    %dma_start3A_186 = tpu.memref_squeeze %dma_start3A_185 : memref<1x80xi32, #tpu.memory_space<vmem>> -> memref<80xi32, #tpu.memory_space<vmem>>
    %dma_start3A_187 = arith.constant 0 : i32
    %dma_start3A_188 = arith.constant 0 : i32
    %dma_start3A_189 = tpu.memref_slice %arg2[%dma_start3A_187, %dma_start3A_188] : memref<100000x64xf32, #tpu.memory_space<hbm>> -> memref<100000x64xf32, #tpu.memory_space<hbm>>
    tpu.enqueue_indirect_dma source(%dma_start3A_189 : memref<100000x64xf32, #tpu.memory_space<hbm>>) target(%dma_start3A_183 : memref<80x64xf32, #tpu.memory_space<vmem>>) offsets(%dma_start3A_186 : memref<80xi32, #tpu.memory_space<vmem>>) semaphore(%arg8 : memref<!tpu.dma_semaphore, #tpu.memory_space<semaphore_mem>>)
    %dma_start3A_190 = arith.constant 19 : i32
    %dma_start3A_191 = arith.constant 1520 : i32
    %dma_start3A_192 = arith.constant 0 : i32
    %dma_start3A_193 = tpu.memref_slice %arg6[%dma_start3A_191, %dma_start3A_192] : memref<1600x64xf32, #tpu.memory_space<vmem>> -> memref<80x64xf32, #tpu.memory_space<vmem>>
    %dma_start3A_194 = arith.constant 0 : i32
    %dma_start3A_195 = tpu.memref_slice %arg5[%dma_start3A_190, %dma_start3A_194] : memref<20x80xi32, #tpu.memory_space<vmem>> -> memref<1x80xi32, #tpu.memory_space<vmem>>
    %dma_start3A_196 = tpu.memref_squeeze %dma_start3A_195 : memref<1x80xi32, #tpu.memory_space<vmem>> -> memref<80xi32, #tpu.memory_space<vmem>>
    %dma_start3A_197 = arith.constant 0 : i32
    %dma_start3A_198 = arith.constant 0 : i32
    %dma_start3A_199 = tpu.memref_slice %arg2[%dma_start3A_197, %dma_start3A_198] : memref<100000x64xf32, #tpu.memory_space<hbm>> -> memref<100000x64xf32, #tpu.memory_space<hbm>>
    tpu.enqueue_indirect_dma source(%dma_start3A_199 : memref<100000x64xf32, #tpu.memory_space<hbm>>) target(%dma_start3A_193 : memref<80x64xf32, #tpu.memory_space<vmem>>) offsets(%dma_start3A_196 : memref<80xi32, #tpu.memory_space<vmem>>) semaphore(%arg8 : memref<!tpu.dma_semaphore, #tpu.memory_space<semaphore_mem>>)
    %dma_wait3A = arith.constant 0 : i32
    %dma_wait3A_200 = arith.constant 0 : i32
    %dma_wait3A_201 = arith.constant 0 : i32
    %dma_wait3A_202 = tpu.memref_slice %arg6[%dma_wait3A_200, %dma_wait3A_201] : memref<1600x64xf32, #tpu.memory_space<vmem>> -> memref<80x64xf32, #tpu.memory_space<vmem>>
    %dma_wait3A_203 = arith.constant 0 : i32
    %dma_wait3A_204 = tpu.memref_slice %arg5[%dma_wait3A, %dma_wait3A_203] : memref<20x80xi32, #tpu.memory_space<vmem>> -> memref<1x80xi32, #tpu.memory_space<vmem>>
    %dma_wait3A_205 = tpu.memref_squeeze %dma_wait3A_204 : memref<1x80xi32, #tpu.memory_space<vmem>> -> memref<80xi32, #tpu.memory_space<vmem>>
    %dma_wait3A_206 = arith.constant 0 : i32
    %dma_wait3A_207 = arith.constant 0 : i32
    %dma_wait3A_208 = tpu.memref_slice %arg2[%dma_wait3A_206, %dma_wait3A_207] : memref<100000x64xf32, #tpu.memory_space<hbm>> -> memref<100000x64xf32, #tpu.memory_space<hbm>>
    tpu.wait_indirect_dma semaphore(%arg8 : memref<!tpu.dma_semaphore, #tpu.memory_space<semaphore_mem>>) src(%dma_wait3A_208 : memref<100000x64xf32, #tpu.memory_space<hbm>>) dst(%dma_wait3A_202 : memref<80x64xf32, #tpu.memory_space<vmem>>)
    %dma_wait3A_209 = arith.constant 1 : i32
    %dma_wait3A_210 = arith.constant 80 : i32
    %dma_wait3A_211 = arith.constant 0 : i32
    %dma_wait3A_212 = tpu.memref_slice %arg6[%dma_wait3A_210, %dma_wait3A_211] : memref<1600x64xf32, #tpu.memory_space<vmem>> -> memref<80x64xf32, #tpu.memory_space<vmem>>
    %dma_wait3A_213 = arith.constant 0 : i32
    %dma_wait3A_214 = tpu.memref_slice %arg5[%dma_wait3A_209, %dma_wait3A_213] : memref<20x80xi32, #tpu.memory_space<vmem>> -> memref<1x80xi32, #tpu.memory_space<vmem>>
    %dma_wait3A_215 = tpu.memref_squeeze %dma_wait3A_214 : memref<1x80xi32, #tpu.memory_space<vmem>> -> memref<80xi32, #tpu.memory_space<vmem>>
    %dma_wait3A_216 = arith.constant 0 : i32
    %dma_wait3A_217 = arith.constant 0 : i32
    %dma_wait3A_218 = tpu.memref_slice %arg2[%dma_wait3A_216, %dma_wait3A_217] : memref<100000x64xf32, #tpu.memory_space<hbm>> -> memref<100000x64xf32, #tpu.memory_space<hbm>>
    tpu.wait_indirect_dma semaphore(%arg8 : memref<!tpu.dma_semaphore, #tpu.memory_space<semaphore_mem>>) src(%dma_wait3A_218 : memref<100000x64xf32, #tpu.memory_space<hbm>>) dst(%dma_wait3A_212 : memref<80x64xf32, #tpu.memory_space<vmem>>)
    %dma_wait3A_219 = arith.constant 2 : i32
    %dma_wait3A_220 = arith.constant 160 : i32
    %dma_wait3A_221 = arith.constant 0 : i32
    %dma_wait3A_222 = tpu.memref_slice %arg6[%dma_wait3A_220, %dma_wait3A_221] : memref<1600x64xf32, #tpu.memory_space<vmem>> -> memref<80x64xf32, #tpu.memory_space<vmem>>
    %dma_wait3A_223 = arith.constant 0 : i32
    %dma_wait3A_224 = tpu.memref_slice %arg5[%dma_wait3A_219, %dma_wait3A_223] : memref<20x80xi32, #tpu.memory_space<vmem>> -> memref<1x80xi32, #tpu.memory_space<vmem>>
    %dma_wait3A_225 = tpu.memref_squeeze %dma_wait3A_224 : memref<1x80xi32, #tpu.memory_space<vmem>> -> memref<80xi32, #tpu.memory_space<vmem>>
    %dma_wait3A_226 = arith.constant 0 : i32
    %dma_wait3A_227 = arith.constant 0 : i32
    %dma_wait3A_228 = tpu.memref_slice %arg2[%dma_wait3A_226, %dma_wait3A_227] : memref<100000x64xf32, #tpu.memory_space<hbm>> -> memref<100000x64xf32, #tpu.memory_space<hbm>>
    tpu.wait_indirect_dma semaphore(%arg8 : memref<!tpu.dma_semaphore, #tpu.memory_space<semaphore_mem>>) src(%dma_wait3A_228 : memref<100000x64xf32, #tpu.memory_space<hbm>>) dst(%dma_wait3A_222 : memref<80x64xf32, #tpu.memory_space<vmem>>)
    %dma_wait3A_229 = arith.constant 3 : i32
    %dma_wait3A_230 = arith.constant 240 : i32
    %dma_wait3A_231 = arith.constant 0 : i32
    %dma_wait3A_232 = tpu.memref_slice %arg6[%dma_wait3A_230, %dma_wait3A_231] : memref<1600x64xf32, #tpu.memory_space<vmem>> -> memref<80x64xf32, #tpu.memory_space<vmem>>
    %dma_wait3A_233 = arith.constant 0 : i32
    %dma_wait3A_234 = tpu.memref_slice %arg5[%dma_wait3A_229, %dma_wait3A_233] : memref<20x80xi32, #tpu.memory_space<vmem>> -> memref<1x80xi32, #tpu.memory_space<vmem>>
    %dma_wait3A_235 = tpu.memref_squeeze %dma_wait3A_234 : memref<1x80xi32, #tpu.memory_space<vmem>> -> memref<80xi32, #tpu.memory_space<vmem>>
    %dma_wait3A_236 = arith.constant 0 : i32
    %dma_wait3A_237 = arith.constant 0 : i32
    %dma_wait3A_238 = tpu.memref_slice %arg2[%dma_wait3A_236, %dma_wait3A_237] : memref<100000x64xf32, #tpu.memory_space<hbm>> -> memref<100000x64xf32, #tpu.memory_space<hbm>>
    tpu.wait_indirect_dma semaphore(%arg8 : memref<!tpu.dma_semaphore, #tpu.memory_space<semaphore_mem>>) src(%dma_wait3A_238 : memref<100000x64xf32, #tpu.memory_space<hbm>>) dst(%dma_wait3A_232 : memref<80x64xf32, #tpu.memory_space<vmem>>)
    %dma_wait3A_239 = arith.constant 4 : i32
    %dma_wait3A_240 = arith.constant 320 : i32
    %dma_wait3A_241 = arith.constant 0 : i32
    %dma_wait3A_242 = tpu.memref_slice %arg6[%dma_wait3A_240, %dma_wait3A_241] : memref<1600x64xf32, #tpu.memory_space<vmem>> -> memref<80x64xf32, #tpu.memory_space<vmem>>
    %dma_wait3A_243 = arith.constant 0 : i32
    %dma_wait3A_244 = tpu.memref_slice %arg5[%dma_wait3A_239, %dma_wait3A_243] : memref<20x80xi32, #tpu.memory_space<vmem>> -> memref<1x80xi32, #tpu.memory_space<vmem>>
    %dma_wait3A_245 = tpu.memref_squeeze %dma_wait3A_244 : memref<1x80xi32, #tpu.memory_space<vmem>> -> memref<80xi32, #tpu.memory_space<vmem>>
    %dma_wait3A_246 = arith.constant 0 : i32
    %dma_wait3A_247 = arith.constant 0 : i32
    %dma_wait3A_248 = tpu.memref_slice %arg2[%dma_wait3A_246, %dma_wait3A_247] : memref<100000x64xf32, #tpu.memory_space<hbm>> -> memref<100000x64xf32, #tpu.memory_space<hbm>>
    tpu.wait_indirect_dma semaphore(%arg8 : memref<!tpu.dma_semaphore, #tpu.memory_space<semaphore_mem>>) src(%dma_wait3A_248 : memref<100000x64xf32, #tpu.memory_space<hbm>>) dst(%dma_wait3A_242 : memref<80x64xf32, #tpu.memory_space<vmem>>)
    %dma_wait3A_249 = arith.constant 5 : i32
    %dma_wait3A_250 = arith.constant 400 : i32
    %dma_wait3A_251 = arith.constant 0 : i32
    %dma_wait3A_252 = tpu.memref_slice %arg6[%dma_wait3A_250, %dma_wait3A_251] : memref<1600x64xf32, #tpu.memory_space<vmem>> -> memref<80x64xf32, #tpu.memory_space<vmem>>
    %dma_wait3A_253 = arith.constant 0 : i32
    %dma_wait3A_254 = tpu.memref_slice %arg5[%dma_wait3A_249, %dma_wait3A_253] : memref<20x80xi32, #tpu.memory_space<vmem>> -> memref<1x80xi32, #tpu.memory_space<vmem>>
    %dma_wait3A_255 = tpu.memref_squeeze %dma_wait3A_254 : memref<1x80xi32, #tpu.memory_space<vmem>> -> memref<80xi32, #tpu.memory_space<vmem>>
    %dma_wait3A_256 = arith.constant 0 : i32
    %dma_wait3A_257 = arith.constant 0 : i32
    %dma_wait3A_258 = tpu.memref_slice %arg2[%dma_wait3A_256, %dma_wait3A_257] : memref<100000x64xf32, #tpu.memory_space<hbm>> -> memref<100000x64xf32, #tpu.memory_space<hbm>>
    tpu.wait_indirect_dma semaphore(%arg8 : memref<!tpu.dma_semaphore, #tpu.memory_space<semaphore_mem>>) src(%dma_wait3A_258 : memref<100000x64xf32, #tpu.memory_space<hbm>>) dst(%dma_wait3A_252 : memref<80x64xf32, #tpu.memory_space<vmem>>)
    %dma_wait3A_259 = arith.constant 6 : i32
    %dma_wait3A_260 = arith.constant 480 : i32
    %dma_wait3A_261 = arith.constant 0 : i32
    %dma_wait3A_262 = tpu.memref_slice %arg6[%dma_wait3A_260, %dma_wait3A_261] : memref<1600x64xf32, #tpu.memory_space<vmem>> -> memref<80x64xf32, #tpu.memory_space<vmem>>
    %dma_wait3A_263 = arith.constant 0 : i32
    %dma_wait3A_264 = tpu.memref_slice %arg5[%dma_wait3A_259, %dma_wait3A_263] : memref<20x80xi32, #tpu.memory_space<vmem>> -> memref<1x80xi32, #tpu.memory_space<vmem>>
    %dma_wait3A_265 = tpu.memref_squeeze %dma_wait3A_264 : memref<1x80xi32, #tpu.memory_space<vmem>> -> memref<80xi32, #tpu.memory_space<vmem>>
    %dma_wait3A_266 = arith.constant 0 : i32
    %dma_wait3A_267 = arith.constant 0 : i32
    %dma_wait3A_268 = tpu.memref_slice %arg2[%dma_wait3A_266, %dma_wait3A_267] : memref<100000x64xf32, #tpu.memory_space<hbm>> -> memref<100000x64xf32, #tpu.memory_space<hbm>>
    tpu.wait_indirect_dma semaphore(%arg8 : memref<!tpu.dma_semaphore, #tpu.memory_space<semaphore_mem>>) src(%dma_wait3A_268 : memref<100000x64xf32, #tpu.memory_space<hbm>>) dst(%dma_wait3A_262 : memref<80x64xf32, #tpu.memory_space<vmem>>)
    %dma_wait3A_269 = arith.constant 7 : i32
    %dma_wait3A_270 = arith.constant 560 : i32
    %dma_wait3A_271 = arith.constant 0 : i32
    %dma_wait3A_272 = tpu.memref_slice %arg6[%dma_wait3A_270, %dma_wait3A_271] : memref<1600x64xf32, #tpu.memory_space<vmem>> -> memref<80x64xf32, #tpu.memory_space<vmem>>
    %dma_wait3A_273 = arith.constant 0 : i32
    %dma_wait3A_274 = tpu.memref_slice %arg5[%dma_wait3A_269, %dma_wait3A_273] : memref<20x80xi32, #tpu.memory_space<vmem>> -> memref<1x80xi32, #tpu.memory_space<vmem>>
    %dma_wait3A_275 = tpu.memref_squeeze %dma_wait3A_274 : memref<1x80xi32, #tpu.memory_space<vmem>> -> memref<80xi32, #tpu.memory_space<vmem>>
    %dma_wait3A_276 = arith.constant 0 : i32
    %dma_wait3A_277 = arith.constant 0 : i32
    %dma_wait3A_278 = tpu.memref_slice %arg2[%dma_wait3A_276, %dma_wait3A_277] : memref<100000x64xf32, #tpu.memory_space<hbm>> -> memref<100000x64xf32, #tpu.memory_space<hbm>>
    tpu.wait_indirect_dma semaphore(%arg8 : memref<!tpu.dma_semaphore, #tpu.memory_space<semaphore_mem>>) src(%dma_wait3A_278 : memref<100000x64xf32, #tpu.memory_space<hbm>>) dst(%dma_wait3A_272 : memref<80x64xf32, #tpu.memory_space<vmem>>)
    %dma_wait3A_279 = arith.constant 8 : i32
    %dma_wait3A_280 = arith.constant 640 : i32
    %dma_wait3A_281 = arith.constant 0 : i32
    %dma_wait3A_282 = tpu.memref_slice %arg6[%dma_wait3A_280, %dma_wait3A_281] : memref<1600x64xf32, #tpu.memory_space<vmem>> -> memref<80x64xf32, #tpu.memory_space<vmem>>
    %dma_wait3A_283 = arith.constant 0 : i32
    %dma_wait3A_284 = tpu.memref_slice %arg5[%dma_wait3A_279, %dma_wait3A_283] : memref<20x80xi32, #tpu.memory_space<vmem>> -> memref<1x80xi32, #tpu.memory_space<vmem>>
    %dma_wait3A_285 = tpu.memref_squeeze %dma_wait3A_284 : memref<1x80xi32, #tpu.memory_space<vmem>> -> memref<80xi32, #tpu.memory_space<vmem>>
    %dma_wait3A_286 = arith.constant 0 : i32
    %dma_wait3A_287 = arith.constant 0 : i32
    %dma_wait3A_288 = tpu.memref_slice %arg2[%dma_wait3A_286, %dma_wait3A_287] : memref<100000x64xf32, #tpu.memory_space<hbm>> -> memref<100000x64xf32, #tpu.memory_space<hbm>>
    tpu.wait_indirect_dma semaphore(%arg8 : memref<!tpu.dma_semaphore, #tpu.memory_space<semaphore_mem>>) src(%dma_wait3A_288 : memref<100000x64xf32, #tpu.memory_space<hbm>>) dst(%dma_wait3A_282 : memref<80x64xf32, #tpu.memory_space<vmem>>)
    %dma_wait3A_289 = arith.constant 9 : i32
    %dma_wait3A_290 = arith.constant 720 : i32
    %dma_wait3A_291 = arith.constant 0 : i32
    %dma_wait3A_292 = tpu.memref_slice %arg6[%dma_wait3A_290, %dma_wait3A_291] : memref<1600x64xf32, #tpu.memory_space<vmem>> -> memref<80x64xf32, #tpu.memory_space<vmem>>
    %dma_wait3A_293 = arith.constant 0 : i32
    %dma_wait3A_294 = tpu.memref_slice %arg5[%dma_wait3A_289, %dma_wait3A_293] : memref<20x80xi32, #tpu.memory_space<vmem>> -> memref<1x80xi32, #tpu.memory_space<vmem>>
    %dma_wait3A_295 = tpu.memref_squeeze %dma_wait3A_294 : memref<1x80xi32, #tpu.memory_space<vmem>> -> memref<80xi32, #tpu.memory_space<vmem>>
    %dma_wait3A_296 = arith.constant 0 : i32
    %dma_wait3A_297 = arith.constant 0 : i32
    %dma_wait3A_298 = tpu.memref_slice %arg2[%dma_wait3A_296, %dma_wait3A_297] : memref<100000x64xf32, #tpu.memory_space<hbm>> -> memref<100000x64xf32, #tpu.memory_space<hbm>>
    tpu.wait_indirect_dma semaphore(%arg8 : memref<!tpu.dma_semaphore, #tpu.memory_space<semaphore_mem>>) src(%dma_wait3A_298 : memref<100000x64xf32, #tpu.memory_space<hbm>>) dst(%dma_wait3A_292 : memref<80x64xf32, #tpu.memory_space<vmem>>)
    %dma_wait3A_299 = arith.constant 10 : i32
    %dma_wait3A_300 = arith.constant 800 : i32
    %dma_wait3A_301 = arith.constant 0 : i32
    %dma_wait3A_302 = tpu.memref_slice %arg6[%dma_wait3A_300, %dma_wait3A_301] : memref<1600x64xf32, #tpu.memory_space<vmem>> -> memref<80x64xf32, #tpu.memory_space<vmem>>
    %dma_wait3A_303 = arith.constant 0 : i32
    %dma_wait3A_304 = tpu.memref_slice %arg5[%dma_wait3A_299, %dma_wait3A_303] : memref<20x80xi32, #tpu.memory_space<vmem>> -> memref<1x80xi32, #tpu.memory_space<vmem>>
    %dma_wait3A_305 = tpu.memref_squeeze %dma_wait3A_304 : memref<1x80xi32, #tpu.memory_space<vmem>> -> memref<80xi32, #tpu.memory_space<vmem>>
    %dma_wait3A_306 = arith.constant 0 : i32
    %dma_wait3A_307 = arith.constant 0 : i32
    %dma_wait3A_308 = tpu.memref_slice %arg2[%dma_wait3A_306, %dma_wait3A_307] : memref<100000x64xf32, #tpu.memory_space<hbm>> -> memref<100000x64xf32, #tpu.memory_space<hbm>>
    tpu.wait_indirect_dma semaphore(%arg8 : memref<!tpu.dma_semaphore, #tpu.memory_space<semaphore_mem>>) src(%dma_wait3A_308 : memref<100000x64xf32, #tpu.memory_space<hbm>>) dst(%dma_wait3A_302 : memref<80x64xf32, #tpu.memory_space<vmem>>)
    %dma_wait3A_309 = arith.constant 11 : i32
    %dma_wait3A_310 = arith.constant 880 : i32
    %dma_wait3A_311 = arith.constant 0 : i32
    %dma_wait3A_312 = tpu.memref_slice %arg6[%dma_wait3A_310, %dma_wait3A_311] : memref<1600x64xf32, #tpu.memory_space<vmem>> -> memref<80x64xf32, #tpu.memory_space<vmem>>
    %dma_wait3A_313 = arith.constant 0 : i32
    %dma_wait3A_314 = tpu.memref_slice %arg5[%dma_wait3A_309, %dma_wait3A_313] : memref<20x80xi32, #tpu.memory_space<vmem>> -> memref<1x80xi32, #tpu.memory_space<vmem>>
    %dma_wait3A_315 = tpu.memref_squeeze %dma_wait3A_314 : memref<1x80xi32, #tpu.memory_space<vmem>> -> memref<80xi32, #tpu.memory_space<vmem>>
    %dma_wait3A_316 = arith.constant 0 : i32
    %dma_wait3A_317 = arith.constant 0 : i32
    %dma_wait3A_318 = tpu.memref_slice %arg2[%dma_wait3A_316, %dma_wait3A_317] : memref<100000x64xf32, #tpu.memory_space<hbm>> -> memref<100000x64xf32, #tpu.memory_space<hbm>>
    tpu.wait_indirect_dma semaphore(%arg8 : memref<!tpu.dma_semaphore, #tpu.memory_space<semaphore_mem>>) src(%dma_wait3A_318 : memref<100000x64xf32, #tpu.memory_space<hbm>>) dst(%dma_wait3A_312 : memref<80x64xf32, #tpu.memory_space<vmem>>)
    %dma_wait3A_319 = arith.constant 12 : i32
    %dma_wait3A_320 = arith.constant 960 : i32
    %dma_wait3A_321 = arith.constant 0 : i32
    %dma_wait3A_322 = tpu.memref_slice %arg6[%dma_wait3A_320, %dma_wait3A_321] : memref<1600x64xf32, #tpu.memory_space<vmem>> -> memref<80x64xf32, #tpu.memory_space<vmem>>
    %dma_wait3A_323 = arith.constant 0 : i32
    %dma_wait3A_324 = tpu.memref_slice %arg5[%dma_wait3A_319, %dma_wait3A_323] : memref<20x80xi32, #tpu.memory_space<vmem>> -> memref<1x80xi32, #tpu.memory_space<vmem>>
    %dma_wait3A_325 = tpu.memref_squeeze %dma_wait3A_324 : memref<1x80xi32, #tpu.memory_space<vmem>> -> memref<80xi32, #tpu.memory_space<vmem>>
    %dma_wait3A_326 = arith.constant 0 : i32
    %dma_wait3A_327 = arith.constant 0 : i32
    %dma_wait3A_328 = tpu.memref_slice %arg2[%dma_wait3A_326, %dma_wait3A_327] : memref<100000x64xf32, #tpu.memory_space<hbm>> -> memref<100000x64xf32, #tpu.memory_space<hbm>>
    tpu.wait_indirect_dma semaphore(%arg8 : memref<!tpu.dma_semaphore, #tpu.memory_space<semaphore_mem>>) src(%dma_wait3A_328 : memref<100000x64xf32, #tpu.memory_space<hbm>>) dst(%dma_wait3A_322 : memref<80x64xf32, #tpu.memory_space<vmem>>)
    %dma_wait3A_329 = arith.constant 13 : i32
    %dma_wait3A_330 = arith.constant 1040 : i32
    %dma_wait3A_331 = arith.constant 0 : i32
    %dma_wait3A_332 = tpu.memref_slice %arg6[%dma_wait3A_330, %dma_wait3A_331] : memref<1600x64xf32, #tpu.memory_space<vmem>> -> memref<80x64xf32, #tpu.memory_space<vmem>>
    %dma_wait3A_333 = arith.constant 0 : i32
    %dma_wait3A_334 = tpu.memref_slice %arg5[%dma_wait3A_329, %dma_wait3A_333] : memref<20x80xi32, #tpu.memory_space<vmem>> -> memref<1x80xi32, #tpu.memory_space<vmem>>
    %dma_wait3A_335 = tpu.memref_squeeze %dma_wait3A_334 : memref<1x80xi32, #tpu.memory_space<vmem>> -> memref<80xi32, #tpu.memory_space<vmem>>
    %dma_wait3A_336 = arith.constant 0 : i32
    %dma_wait3A_337 = arith.constant 0 : i32
    %dma_wait3A_338 = tpu.memref_slice %arg2[%dma_wait3A_336, %dma_wait3A_337] : memref<100000x64xf32, #tpu.memory_space<hbm>> -> memref<100000x64xf32, #tpu.memory_space<hbm>>
    tpu.wait_indirect_dma semaphore(%arg8 : memref<!tpu.dma_semaphore, #tpu.memory_space<semaphore_mem>>) src(%dma_wait3A_338 : memref<100000x64xf32, #tpu.memory_space<hbm>>) dst(%dma_wait3A_332 : memref<80x64xf32, #tpu.memory_space<vmem>>)
    %dma_wait3A_339 = arith.constant 14 : i32
    %dma_wait3A_340 = arith.constant 1120 : i32
    %dma_wait3A_341 = arith.constant 0 : i32
    %dma_wait3A_342 = tpu.memref_slice %arg6[%dma_wait3A_340, %dma_wait3A_341] : memref<1600x64xf32, #tpu.memory_space<vmem>> -> memref<80x64xf32, #tpu.memory_space<vmem>>
    %dma_wait3A_343 = arith.constant 0 : i32
    %dma_wait3A_344 = tpu.memref_slice %arg5[%dma_wait3A_339, %dma_wait3A_343] : memref<20x80xi32, #tpu.memory_space<vmem>> -> memref<1x80xi32, #tpu.memory_space<vmem>>
    %dma_wait3A_345 = tpu.memref_squeeze %dma_wait3A_344 : memref<1x80xi32, #tpu.memory_space<vmem>> -> memref<80xi32, #tpu.memory_space<vmem>>
    %dma_wait3A_346 = arith.constant 0 : i32
    %dma_wait3A_347 = arith.constant 0 : i32
    %dma_wait3A_348 = tpu.memref_slice %arg2[%dma_wait3A_346, %dma_wait3A_347] : memref<100000x64xf32, #tpu.memory_space<hbm>> -> memref<100000x64xf32, #tpu.memory_space<hbm>>
    tpu.wait_indirect_dma semaphore(%arg8 : memref<!tpu.dma_semaphore, #tpu.memory_space<semaphore_mem>>) src(%dma_wait3A_348 : memref<100000x64xf32, #tpu.memory_space<hbm>>) dst(%dma_wait3A_342 : memref<80x64xf32, #tpu.memory_space<vmem>>)
    %dma_wait3A_349 = arith.constant 15 : i32
    %dma_wait3A_350 = arith.constant 1200 : i32
    %dma_wait3A_351 = arith.constant 0 : i32
    %dma_wait3A_352 = tpu.memref_slice %arg6[%dma_wait3A_350, %dma_wait3A_351] : memref<1600x64xf32, #tpu.memory_space<vmem>> -> memref<80x64xf32, #tpu.memory_space<vmem>>
    %dma_wait3A_353 = arith.constant 0 : i32
    %dma_wait3A_354 = tpu.memref_slice %arg5[%dma_wait3A_349, %dma_wait3A_353] : memref<20x80xi32, #tpu.memory_space<vmem>> -> memref<1x80xi32, #tpu.memory_space<vmem>>
    %dma_wait3A_355 = tpu.memref_squeeze %dma_wait3A_354 : memref<1x80xi32, #tpu.memory_space<vmem>> -> memref<80xi32, #tpu.memory_space<vmem>>
    %dma_wait3A_356 = arith.constant 0 : i32
    %dma_wait3A_357 = arith.constant 0 : i32
    %dma_wait3A_358 = tpu.memref_slice %arg2[%dma_wait3A_356, %dma_wait3A_357] : memref<100000x64xf32, #tpu.memory_space<hbm>> -> memref<100000x64xf32, #tpu.memory_space<hbm>>
    tpu.wait_indirect_dma semaphore(%arg8 : memref<!tpu.dma_semaphore, #tpu.memory_space<semaphore_mem>>) src(%dma_wait3A_358 : memref<100000x64xf32, #tpu.memory_space<hbm>>) dst(%dma_wait3A_352 : memref<80x64xf32, #tpu.memory_space<vmem>>)
    %dma_wait3A_359 = arith.constant 16 : i32
    %dma_wait3A_360 = arith.constant 1280 : i32
    %dma_wait3A_361 = arith.constant 0 : i32
    %dma_wait3A_362 = tpu.memref_slice %arg6[%dma_wait3A_360, %dma_wait3A_361] : memref<1600x64xf32, #tpu.memory_space<vmem>> -> memref<80x64xf32, #tpu.memory_space<vmem>>
    %dma_wait3A_363 = arith.constant 0 : i32
    %dma_wait3A_364 = tpu.memref_slice %arg5[%dma_wait3A_359, %dma_wait3A_363] : memref<20x80xi32, #tpu.memory_space<vmem>> -> memref<1x80xi32, #tpu.memory_space<vmem>>
    %dma_wait3A_365 = tpu.memref_squeeze %dma_wait3A_364 : memref<1x80xi32, #tpu.memory_space<vmem>> -> memref<80xi32, #tpu.memory_space<vmem>>
    %dma_wait3A_366 = arith.constant 0 : i32
    %dma_wait3A_367 = arith.constant 0 : i32
    %dma_wait3A_368 = tpu.memref_slice %arg2[%dma_wait3A_366, %dma_wait3A_367] : memref<100000x64xf32, #tpu.memory_space<hbm>> -> memref<100000x64xf32, #tpu.memory_space<hbm>>
    tpu.wait_indirect_dma semaphore(%arg8 : memref<!tpu.dma_semaphore, #tpu.memory_space<semaphore_mem>>) src(%dma_wait3A_368 : memref<100000x64xf32, #tpu.memory_space<hbm>>) dst(%dma_wait3A_362 : memref<80x64xf32, #tpu.memory_space<vmem>>)
    %dma_wait3A_369 = arith.constant 17 : i32
    %dma_wait3A_370 = arith.constant 1360 : i32
    %dma_wait3A_371 = arith.constant 0 : i32
    %dma_wait3A_372 = tpu.memref_slice %arg6[%dma_wait3A_370, %dma_wait3A_371] : memref<1600x64xf32, #tpu.memory_space<vmem>> -> memref<80x64xf32, #tpu.memory_space<vmem>>
    %dma_wait3A_373 = arith.constant 0 : i32
    %dma_wait3A_374 = tpu.memref_slice %arg5[%dma_wait3A_369, %dma_wait3A_373] : memref<20x80xi32, #tpu.memory_space<vmem>> -> memref<1x80xi32, #tpu.memory_space<vmem>>
    %dma_wait3A_375 = tpu.memref_squeeze %dma_wait3A_374 : memref<1x80xi32, #tpu.memory_space<vmem>> -> memref<80xi32, #tpu.memory_space<vmem>>
    %dma_wait3A_376 = arith.constant 0 : i32
    %dma_wait3A_377 = arith.constant 0 : i32
    %dma_wait3A_378 = tpu.memref_slice %arg2[%dma_wait3A_376, %dma_wait3A_377] : memref<100000x64xf32, #tpu.memory_space<hbm>> -> memref<100000x64xf32, #tpu.memory_space<hbm>>
    tpu.wait_indirect_dma semaphore(%arg8 : memref<!tpu.dma_semaphore, #tpu.memory_space<semaphore_mem>>) src(%dma_wait3A_378 : memref<100000x64xf32, #tpu.memory_space<hbm>>) dst(%dma_wait3A_372 : memref<80x64xf32, #tpu.memory_space<vmem>>)
    %dma_wait3A_379 = arith.constant 18 : i32
    %dma_wait3A_380 = arith.constant 1440 : i32
    %dma_wait3A_381 = arith.constant 0 : i32
    %dma_wait3A_382 = tpu.memref_slice %arg6[%dma_wait3A_380, %dma_wait3A_381] : memref<1600x64xf32, #tpu.memory_space<vmem>> -> memref<80x64xf32, #tpu.memory_space<vmem>>
    %dma_wait3A_383 = arith.constant 0 : i32
    %dma_wait3A_384 = tpu.memref_slice %arg5[%dma_wait3A_379, %dma_wait3A_383] : memref<20x80xi32, #tpu.memory_space<vmem>> -> memref<1x80xi32, #tpu.memory_space<vmem>>
    %dma_wait3A_385 = tpu.memref_squeeze %dma_wait3A_384 : memref<1x80xi32, #tpu.memory_space<vmem>> -> memref<80xi32, #tpu.memory_space<vmem>>
    %dma_wait3A_386 = arith.constant 0 : i32
    %dma_wait3A_387 = arith.constant 0 : i32
    %dma_wait3A_388 = tpu.memref_slice %arg2[%dma_wait3A_386, %dma_wait3A_387] : memref<100000x64xf32, #tpu.memory_space<hbm>> -> memref<100000x64xf32, #tpu.memory_space<hbm>>
    tpu.wait_indirect_dma semaphore(%arg8 : memref<!tpu.dma_semaphore, #tpu.memory_space<semaphore_mem>>) src(%dma_wait3A_388 : memref<100000x64xf32, #tpu.memory_space<hbm>>) dst(%dma_wait3A_382 : memref<80x64xf32, #tpu.memory_space<vmem>>)
    %dma_wait3A_389 = arith.constant 19 : i32
    %dma_wait3A_390 = arith.constant 1520 : i32
    %dma_wait3A_391 = arith.constant 0 : i32
    %dma_wait3A_392 = tpu.memref_slice %arg6[%dma_wait3A_390, %dma_wait3A_391] : memref<1600x64xf32, #tpu.memory_space<vmem>> -> memref<80x64xf32, #tpu.memory_space<vmem>>
    %dma_wait3A_393 = arith.constant 0 : i32
    %dma_wait3A_394 = tpu.memref_slice %arg5[%dma_wait3A_389, %dma_wait3A_393] : memref<20x80xi32, #tpu.memory_space<vmem>> -> memref<1x80xi32, #tpu.memory_space<vmem>>
    %dma_wait3A_395 = tpu.memref_squeeze %dma_wait3A_394 : memref<1x80xi32, #tpu.memory_space<vmem>> -> memref<80xi32, #tpu.memory_space<vmem>>
    %dma_wait3A_396 = arith.constant 0 : i32
    %dma_wait3A_397 = arith.constant 0 : i32
    %dma_wait3A_398 = tpu.memref_slice %arg2[%dma_wait3A_396, %dma_wait3A_397] : memref<100000x64xf32, #tpu.memory_space<hbm>> -> memref<100000x64xf32, #tpu.memory_space<hbm>>
    tpu.wait_indirect_dma semaphore(%arg8 : memref<!tpu.dma_semaphore, #tpu.memory_space<semaphore_mem>>) src(%dma_wait3A_398 : memref<100000x64xf32, #tpu.memory_space<hbm>>) dst(%dma_wait3A_392 : memref<80x64xf32, #tpu.memory_space<vmem>>)
    %scan3A = arith.constant 0 : i32
    %scan3A_399 = arith.constant 2.000000e-02 : f32
    %scan3A_400 = arith.constant 0 : i32
    %scan3A_401 = arith.constant 32 : i32
    %scan3A_402 = arith.addi %scan3A_400, %scan3A_401 : i32
    %scan3A_403 = arith.constant 1 : i32
    scf.for %scan3A_407 = %scan3A_400 to %scan3A_402 step %scan3A_403  : i32 {
      %broadcast_in_dim3A = arith.constant 0.000000e+00 : f32
      %broadcast_in_dim3A_408 = vector.broadcast %broadcast_in_dim3A : f32 to vector<16xf32>
      %broadcast_in_dim3A_409 = arith.constant 0.000000e+00 : f32
      %broadcast_in_dim3A_410 = vector.broadcast %broadcast_in_dim3A_409 : f32 to vector<16xf32>
      %broadcast_in_dim3A_411 = arith.constant 0.000000e+00 : f32
      %broadcast_in_dim3A_412 = vector.broadcast %broadcast_in_dim3A_411 : f32 to vector<16xf32>
      %broadcast_in_dim3A_413 = arith.constant 0.000000e+00 : f32
      %broadcast_in_dim3A_414 = vector.broadcast %broadcast_in_dim3A_413 : f32 to vector<16xf32>
      %scan3A_415 = arith.constant 0 : i32
      %scan3A_416 = arith.constant 50 : i32
      %scan3A_417 = arith.addi %scan3A_415, %scan3A_416 : i32
      %scan3A_418 = arith.constant 1 : i32
      %scan3A_419:4 = scf.for %scan3A_448 = %scan3A_415 to %scan3A_417 step %scan3A_418 iter_args(%scan3A_449 = %broadcast_in_dim3A_408, %scan3A_450 = %broadcast_in_dim3A_410, %scan3A_451 = %broadcast_in_dim3A_412, %scan3A_452 = %broadcast_in_dim3A_414) -> (vector<16xf32>, vector<16xf32>, vector<16xf32>, vector<16xf32>)  : i32 {
        %mul3A_453 = arith.constant 50 : i32
        %mul3A_454 = arith.muli %scan3A_407, %mul3A_453 : i32
        %add3A_455 = arith.addi %mul3A_454, %scan3A_448 : i32
        %get3A = arith.index_cast %add3A_455 : i32 to index
        %get3A_456 = arith.constant 0 : index
        %get3A_457 = tpu.vector_load %arg6[%get3A, %get3A_456] {strides = array<i32>} : memref<1600x64xf32, #tpu.memory_space<vmem>>, vector<1x16xf32>,
        %get3A_458 = vector.shape_cast %get3A_457 : vector<1x16xf32> to vector<16xf32>
        %add3A_459 = arith.addf %scan3A_449, %get3A_458 : vector<16xf32>
        %get3A_460 = arith.index_cast %add3A_455 : i32 to index
        %get3A_461 = arith.constant 16 : index
        %get3A_462 = tpu.vector_load %arg6[%get3A_460, %get3A_461] {strides = array<i32>} : memref<1600x64xf32, #tpu.memory_space<vmem>>, vector<1x16xf32>,
        %get3A_463 = vector.shape_cast %get3A_462 : vector<1x16xf32> to vector<16xf32>
        %add3A_464 = arith.addf %scan3A_450, %get3A_463 : vector<16xf32>
        %get3A_465 = arith.index_cast %add3A_455 : i32 to index
        %get3A_466 = arith.constant 32 : index
        %get3A_467 = tpu.vector_load %arg6[%get3A_465, %get3A_466] {strides = array<i32>} : memref<1600x64xf32, #tpu.memory_space<vmem>>, vector<1x16xf32>,
        %get3A_468 = vector.shape_cast %get3A_467 : vector<1x16xf32> to vector<16xf32>
        %add3A_469 = arith.addf %scan3A_451, %get3A_468 : vector<16xf32>
        %get3A_470 = arith.index_cast %add3A_455 : i32 to index
        %get3A_471 = arith.constant 48 : index
        %get3A_472 = tpu.vector_load %arg6[%get3A_470, %get3A_471] {strides = array<i32>} : memref<1600x64xf32, #tpu.memory_space<vmem>>, vector<1x16xf32>,
        %get3A_473 = vector.shape_cast %get3A_472 : vector<1x16xf32> to vector<16xf32>
        %add3A_474 = arith.addf %scan3A_452, %get3A_473 : vector<16xf32>
        scf.yield %add3A_459, %add3A_464, %add3A_469, %add3A_474 : vector<16xf32>, vector<16xf32>, vector<16xf32>, vector<16xf32>
      }
      %scan3A_420 = arith.constant 50 : i32
      %mul3A_421 = vector.broadcast %scan3A_399 : f32 to vector<16xf32>
      %mul3A_422 = arith.mulf %scan3A_419#0, %mul3A_421 : vector<16xf32>
      %swap3A = arith.index_cast %scan3A_407 : i32 to index
      %swap3A_423 = arith.constant 0 : index
      %swap3A_424 = tpu.vector_load %arg7[%swap3A, %swap3A_423] {strides = array<i32>} : memref<32x64xf32, #tpu.memory_space<vmem>>, vector<1x16xf32>,
      %swap3A_425 = vector.shape_cast %swap3A_424 : vector<1x16xf32> to vector<16xf32>
      %swap3A_426 = vector.shape_cast %mul3A_422 : vector<16xf32> to vector<1x16xf32>
      tpu.vector_store %arg7[%swap3A, %swap3A_423], %swap3A_426 {strides = array<i32>} : memref<32x64xf32, #tpu.memory_space<vmem>>, vector<1x16xf32>,
      %mul3A_427 = vector.broadcast %scan3A_399 : f32 to vector<16xf32>
      %mul3A_428 = arith.mulf %scan3A_419#1, %mul3A_427 : vector<16xf32>
      %swap3A_429 = arith.index_cast %scan3A_407 : i32 to index
      %swap3A_430 = arith.constant 16 : index
      %swap3A_431 = tpu.vector_load %arg7[%swap3A_429, %swap3A_430] {strides = array<i32>} : memref<32x64xf32, #tpu.memory_space<vmem>>, vector<1x16xf32>,
      %swap3A_432 = vector.shape_cast %swap3A_431 : vector<1x16xf32> to vector<16xf32>
      %swap3A_433 = vector.shape_cast %mul3A_428 : vector<16xf32> to vector<1x16xf32>
      tpu.vector_store %arg7[%swap3A_429, %swap3A_430], %swap3A_433 {strides = array<i32>} : memref<32x64xf32, #tpu.memory_space<vmem>>, vector<1x16xf32>,
      %mul3A_434 = vector.broadcast %scan3A_399 : f32 to vector<16xf32>
      %mul3A_435 = arith.mulf %scan3A_419#2, %mul3A_434 : vector<16xf32>
      %swap3A_436 = arith.index_cast %scan3A_407 : i32 to index
      %swap3A_437 = arith.constant 32 : index
      %swap3A_438 = tpu.vector_load %arg7[%swap3A_436, %swap3A_437] {strides = array<i32>} : memref<32x64xf32, #tpu.memory_space<vmem>>, vector<1x16xf32>,
      %swap3A_439 = vector.shape_cast %swap3A_438 : vector<1x16xf32> to vector<16xf32>
      %swap3A_440 = vector.shape_cast %mul3A_435 : vector<16xf32> to vector<1x16xf32>
      tpu.vector_store %arg7[%swap3A_436, %swap3A_437], %swap3A_440 {strides = array<i32>} : memref<32x64xf32, #tpu.memory_space<vmem>>, vector<1x16xf32>,
      %mul3A_441 = vector.broadcast %scan3A_399 : f32 to vector<16xf32>
      %mul3A_442 = arith.mulf %scan3A_419#3, %mul3A_441 : vector<16xf32>
      %swap3A_443 = arith.index_cast %scan3A_407 : i32 to index
      %swap3A_444 = arith.constant 48 : index
      %swap3A_445 = tpu.vector_load %arg7[%swap3A_443, %swap3A_444] {strides = array<i32>} : memref<32x64xf32, #tpu.memory_space<vmem>>, vector<1x16xf32>,
      %swap3A_446 = vector.shape_cast %swap3A_445 : vector<1x16xf32> to vector<16xf32>
      %swap3A_447 = vector.shape_cast %mul3A_442 : vector<16xf32> to vector<1x16xf32>
      tpu.vector_store %arg7[%swap3A_443, %swap3A_444], %swap3A_447 {strides = array<i32>} : memref<32x64xf32, #tpu.memory_space<vmem>>, vector<1x16xf32>,
    }
    %scan3A_404 = arith.constant 32 : i32
    %mul3A_405 = arith.constant 32 : i32
    %mul3A_406 = arith.muli %add3A, %mul3A_405 : i32
    "tpu.region"() ({
      %run_scoped3A = tpu.sem_alloc : memref<!tpu.dma_semaphore, #tpu.memory_space<semaphore_mem>>
      %dma_start3A_407 = arith.constant 0 : i32
      %dma_start3A_408 = tpu.memref_slice %arg4[%mul3A_406, %dma_start3A_407] : memref<1024x64xf32, #tpu.memory_space<hbm>> -> memref<32x64xf32, #tpu.memory_space<hbm>>
      %dma_start3A_409 = arith.constant 0 : i32
      %dma_start3A_410 = tpu.memref_slice %arg4[%mul3A_406, %dma_start3A_409] : memref<1024x64xf32, #tpu.memory_space<hbm>> -> memref<32x64xf32, #tpu.memory_space<hbm>>
      tpu.enqueue_dma source(%arg7 : memref<32x64xf32, #tpu.memory_space<vmem>>) target(%dma_start3A_410 : memref<32x64xf32, #tpu.memory_space<hbm>>) target_semaphore(%run_scoped3A : memref<!tpu.dma_semaphore, #tpu.memory_space<semaphore_mem>>)
      %dma_wait3A_411 = arith.constant 0 : i32
      %dma_wait3A_412 = tpu.memref_slice %arg4[%mul3A_406, %dma_wait3A_411] : memref<1024x64xf32, #tpu.memory_space<hbm>> -> memref<32x64xf32, #tpu.memory_space<hbm>>
      %dma_wait3A_413 = arith.constant 0 : i32
      %dma_wait3A_414 = tpu.memref_slice %arg4[%mul3A_406, %dma_wait3A_413] : memref<1024x64xf32, #tpu.memory_space<hbm>> -> memref<32x64xf32, #tpu.memory_space<hbm>>
      tpu.wait_dma2 semaphore(%run_scoped3A : memref<!tpu.dma_semaphore, #tpu.memory_space<semaphore_mem>>) src(%arg7 : memref<32x64xf32, #tpu.memory_space<vmem>>) dst(%dma_wait3A_414 : memref<32x64xf32, #tpu.memory_space<hbm>>)
      tpu.yield
    }) : () -> ()
    return
  }
}

module attributes {stable_mosaic.version = 14 : i64} {
  func.func @_fused_body(%arg0: i32, %arg1: memref<1024x64xf32, #tpu.memory_space<vmem>>, %arg2: memref<2048x64xf32, #tpu.memory_space<vmem>>, %arg3: memref<1x2048xf32, #tpu.memory_space<vmem>>, %arg4: memref<1x1024x2048xbf16, #tpu.memory_space<vmem>>, %arg5: memref<1024x1xf32, #tpu.memory_space<vmem>>, %arg6: memref<1024x1xf32, #tpu.memory_space<vmem>>) attributes {dimension_semantics = [#tpu.dimension_semantics<arbitrary>], iteration_bounds = array<i64: 49>, scalar_prefetch = 0 : i64, scratch_operands = 0 : i64, tpu.core_type = #tpu.core_type<tc>, window_params = [{pipeline_mode = #tpu.pipeline_mode<synchronous>, transform_indices = @transform_0, window_bounds = array<i64: 1024, 64>}, {transform_indices = @transform_1, window_bounds = array<i64: 2048, 64>}, {transform_indices = @transform_2, window_bounds = array<i64: 1, 2048>}, {transform_indices = @transform_3, window_bounds = array<i64: 1, 1024, 2048>}, {pipeline_mode = #tpu.pipeline_mode<synchronous>, transform_indices = @transform_4, window_bounds = array<i64: 1024, 1>}, {pipeline_mode = #tpu.pipeline_mode<synchronous>, transform_indices = @transform_5, window_bounds = array<i64: 1024, 1>}]} {
    %eq3A = arith.constant 0 : i32
    %eq3A_0 = arith.cmpi eq, %arg0, %eq3A : i32
    %convert_element_type3A = arith.extui %eq3A_0 : i1 to i32
    %cond3A = arith.constant 0 : i32
    %cond3A_1 = arith.cmpi ne, %convert_element_type3A, %cond3A : i32
    scf.if %cond3A_1 {
      %broadcast_in_dim3A_50 = arith.constant -1.000000e+30 : f32
      %broadcast_in_dim3A_51 = vector.broadcast %broadcast_in_dim3A_50 : f32 to vector<1024x1xf32>
      %swap3A_52 = arith.constant 0 : index
      %swap3A_53 = arith.constant 0 : index
      %swap3A_54 = vector.load %arg5[%swap3A_52, %swap3A_53] : memref<1024x1xf32, #tpu.memory_space<vmem>>, vector<1024x1xf32>
      tpu.vector_store %arg5[%swap3A_52, %swap3A_53], %broadcast_in_dim3A_51 {strides = array<i32>} : memref<1024x1xf32, #tpu.memory_space<vmem>>, vector<1024x1xf32>,
      %broadcast_in_dim3A_55 = arith.constant 0.000000e+00 : f32
      %broadcast_in_dim3A_56 = vector.broadcast %broadcast_in_dim3A_55 : f32 to vector<1024x1xf32>
      %swap3A_57 = arith.constant 0 : index
      %swap3A_58 = arith.constant 0 : index
      %swap3A_59 = vector.load %arg6[%swap3A_57, %swap3A_58] : memref<1024x1xf32, #tpu.memory_space<vmem>>, vector<1024x1xf32>
      tpu.vector_store %arg6[%swap3A_57, %swap3A_58], %broadcast_in_dim3A_56 {strides = array<i32>} : memref<1024x1xf32, #tpu.memory_space<vmem>>, vector<1024x1xf32>,
    } else {
    }
    %get3A = arith.constant 0 : index
    %get3A_2 = arith.constant 0 : index
    %get3A_3 = vector.load %arg1[%get3A, %get3A_2] : memref<1024x64xf32, #tpu.memory_space<vmem>>, vector<1024x64xf32>
    %convert_element_type3A_4 = arith.truncf %get3A_3 : vector<1024x64xf32> to vector<1024x64xbf16>
    %get3A_5 = arith.constant 0 : index
    %get3A_6 = arith.constant 0 : index
    %get3A_7 = vector.load %arg2[%get3A_5, %get3A_6] : memref<2048x64xf32, #tpu.memory_space<vmem>>, vector<2048x64xf32>
    %convert_element_type3A_8 = arith.truncf %get3A_7 : vector<2048x64xf32> to vector<2048x64xbf16>
    %dot_general3A = arith.constant dense<0.000000e+00> : vector<1024x2048xf32>
    %dot_general3A_9 = tpu.matmul %convert_element_type3A_4, %convert_element_type3A_8, %dot_general3A {dimension_numbers = #tpu.dot_dimension_numbers<[1], [1], [0], [0], [0, 0, 1, 0], [], []>, transpose_lhs_hint = false} : vector<1024x64xbf16>, vector<2048x64xbf16>, vector<1024x2048xf32> -> vector<1024x2048xf32>
    %get3A_10 = arith.constant 0 : index
    %get3A_11 = arith.constant 0 : index
    %get3A_12 = vector.load %arg3[%get3A_10, %get3A_11] : memref<1x2048xf32, #tpu.memory_space<vmem>>, vector<1x2048xf32>
    %add3A = vector.broadcast %get3A_12 : vector<1x2048xf32> to vector<1024x2048xf32>
    %add3A_13 = arith.addf %dot_general3A_9, %add3A : vector<1024x2048xf32>
    %convert_element_type3A_14 = arith.truncf %add3A_13 : vector<1024x2048xf32> to vector<1024x2048xbf16>
    %broadcast_in_dim3A = vector.shape_cast %convert_element_type3A_14 : vector<1024x2048xbf16> to vector<1x1024x2048xbf16>
    %swap3A = arith.constant 0 : index
    %swap3A_15 = arith.constant 0 : index
    %swap3A_16 = arith.constant 0 : index
    %swap3A_17 = vector.load %arg4[%swap3A, %swap3A_15, %swap3A_16] : memref<1x1024x2048xbf16, #tpu.memory_space<vmem>>, vector<1x1024x2048xbf16>
    tpu.vector_store %arg4[%swap3A, %swap3A_15, %swap3A_16], %broadcast_in_dim3A {strides = array<i32>} : memref<1x1024x2048xbf16, #tpu.memory_space<vmem>>, vector<1x1024x2048xbf16>,
    %iota3A = tpu.iota {dimensions = array<i32: 1>} : vector<1x2048xi32>
    %mul3A = arith.constant 2048 : i32
    %mul3A_18 = arith.muli %arg0, %mul3A : i32
    %add3A_19 = vector.broadcast %mul3A_18 : i32 to vector<1x2048xi32>
    %add3A_20 = arith.addi %iota3A, %add3A_19 : vector<1x2048xi32>
    %lt3A = arith.constant 100000 : i32
    %lt3A_21 = vector.broadcast %lt3A : i32 to vector<1x2048xi32>
    %lt3A_22 = arith.cmpi slt, %add3A_20, %lt3A_21 : vector<1x2048xi32>
    %jit3A = arith.constant 0xFF800000 : f32
    %broadcast_in_dim3A_23 = vector.shape_cast %lt3A_22 : vector<1x2048xi1> to vector<1x2048xi1>
    %broadcast_in_dim3A_24 = vector.broadcast %broadcast_in_dim3A_23 : vector<1x2048xi1> to vector<1024x2048xi1>
    %broadcast_in_dim3A_25 = vector.broadcast %jit3A : f32 to vector<1024x2048xf32>
    %select_n3A = arith.select %broadcast_in_dim3A_24, %add3A_13, %broadcast_in_dim3A_25 : vector<1024x2048xi1>, vector<1024x2048xf32>
    %reduce_max3A = arith.constant dense<0xFF800000> : vector<1024xf32>
    %reduce_max3A_26 = vector.multi_reduction <maximumf>, %select_n3A, %reduce_max3A [1] : vector<1024x2048xf32> to vector<1024xf32>
    %broadcast_in_dim3A_27 = vector.shape_cast %reduce_max3A_26 : vector<1024xf32> to vector<1024x1xf32>
    %sub3A = vector.broadcast %broadcast_in_dim3A_27 : vector<1024x1xf32> to vector<1024x2048xf32>
    %sub3A_28 = arith.subf %select_n3A, %sub3A : vector<1024x2048xf32>
    %exp3A = math.exp %sub3A_28 : vector<1024x2048xf32>
    %reduce_sum3A = arith.constant dense<0.000000e+00> : vector<1024xf32>
    %reduce_sum3A_29 = vector.multi_reduction <add>, %exp3A, %reduce_sum3A [1] : vector<1024x2048xf32> to vector<1024xf32>
    %broadcast_in_dim3A_30 = vector.shape_cast %reduce_sum3A_29 : vector<1024xf32> to vector<1024x1xf32>
    %get3A_31 = arith.constant 0 : index
    %get3A_32 = arith.constant 0 : index
    %get3A_33 = vector.load %arg5[%get3A_31, %get3A_32] : memref<1024x1xf32, #tpu.memory_space<vmem>>, vector<1024x1xf32>
    %max3A = arith.maximumf %get3A_33, %broadcast_in_dim3A_27 : vector<1024x1xf32>
    %get3A_34 = arith.constant 0 : index
    %get3A_35 = arith.constant 0 : index
    %get3A_36 = vector.load %arg6[%get3A_34, %get3A_35] : memref<1024x1xf32, #tpu.memory_space<vmem>>, vector<1024x1xf32>
    %sub3A_37 = arith.subf %get3A_33, %max3A : vector<1024x1xf32>
    %exp3A_38 = math.exp %sub3A_37 : vector<1024x1xf32>
    %mul3A_39 = arith.mulf %get3A_36, %exp3A_38 : vector<1024x1xf32>
    %sub3A_40 = arith.subf %broadcast_in_dim3A_27, %max3A : vector<1024x1xf32>
    %exp3A_41 = math.exp %sub3A_40 : vector<1024x1xf32>
    %mul3A_42 = arith.mulf %broadcast_in_dim3A_30, %exp3A_41 : vector<1024x1xf32>
    %add3A_43 = arith.addf %mul3A_39, %mul3A_42 : vector<1024x1xf32>
    %swap3A_44 = arith.constant 0 : index
    %swap3A_45 = arith.constant 0 : index
    %swap3A_46 = vector.load %arg6[%swap3A_44, %swap3A_45] : memref<1024x1xf32, #tpu.memory_space<vmem>>, vector<1024x1xf32>
    tpu.vector_store %arg6[%swap3A_44, %swap3A_45], %add3A_43 {strides = array<i32>} : memref<1024x1xf32, #tpu.memory_space<vmem>>, vector<1024x1xf32>,
    %swap3A_47 = arith.constant 0 : index
    %swap3A_48 = arith.constant 0 : index
    %swap3A_49 = vector.load %arg5[%swap3A_47, %swap3A_48] : memref<1024x1xf32, #tpu.memory_space<vmem>>, vector<1024x1xf32>
    tpu.vector_store %arg5[%swap3A_47, %swap3A_48], %max3A {strides = array<i32>} : memref<1024x1xf32, #tpu.memory_space<vmem>>, vector<1024x1xf32>,
    return
  }
  func.func @transform_0(%arg0: i32) -> (i32, i32) {
    %c0_i32 = arith.constant 0 : i32
    %c0_i32_0 = arith.constant 0 : i32
    %c0_i32_1 = arith.constant 0 : i32
    return %c0_i32, %c0_i32_0 : i32, i32
  }
  func.func @transform_1(%arg0: i32) -> (i32, i32) {
    %c0_i32 = arith.constant 0 : i32
    %c0_i32_0 = arith.constant 0 : i32
    return %arg0, %c0_i32 : i32, i32
  }
  func.func @transform_2(%arg0: i32) -> (i32, i32) {
    %c0_i32 = arith.constant 0 : i32
    %c0_i32_0 = arith.constant 0 : i32
    return %c0_i32, %arg0 : i32, i32
  }
  func.func @transform_3(%arg0: i32) -> (i32, i32, i32) {
    %c0_i32 = arith.constant 0 : i32
    %c0_i32_0 = arith.constant 0 : i32
    %c0_i32_1 = arith.constant 0 : i32
    return %arg0, %c0_i32, %c0_i32_0 : i32, i32, i32
  }
  func.func @transform_4(%arg0: i32) -> (i32, i32) {
    %c0_i32 = arith.constant 0 : i32
    %c0_i32_0 = arith.constant 0 : i32
    %c0_i32_1 = arith.constant 0 : i32
    return %c0_i32, %c0_i32_0 : i32, i32
  }
  func.func @transform_5(%arg0: i32) -> (i32, i32) {
    %c0_i32 = arith.constant 0 : i32
    %c0_i32_0 = arith.constant 0 : i32
    %c0_i32_1 = arith.constant 0 : i32
    return %c0_i32, %c0_i32_0 : i32, i32
  }
}

</mosaic_0001>

<sc_bundles>
// kernel: kernel.4.cloned.1.call-start
scs
__scs_entry_jumppad:
0x0: {  	(pc) =	sbr.rel $0x88, $3  }
0x1: {  	(tag) =	ssettag $0x0;
	lr =	simm.s32 $0x1  }
0x2: {  	[smem:$0x3F9D] =	sst lr;
	_ =	strace $0xD0000000  }
0x3: {  	_ = 	snop  }
0x4: {  	_ = 	snop  }
0x5: {  	_ = 	snop  }
0x6: {  	_ = 	snop  }
0x7: {  	_ = 	snop  }
__scs_overlays_trampoline_lowered:
0x8: {  	[smem:$0x3FAC] =	sst s0  }
0x9: {  	[smem:$0x3FAD] =	sst s1  }
0xa: {  	[smem:$0x3FAE] =	sst s2  }
0xb: {  	[smem:$0x3FAF] =	sst s3  }
0xc: {  	[smem:$0x3FB0] =	sst s4  }
0xd: {  	[smem:$0x3FB1] =	sst s5  }
0xe: {  	[smem:$0x3FB2] =	sst s6  }
0xf: {  	[smem:$0x3FB3] =	sst s7  }
0x10: {  	[smem:$0x3FB4] =	sst s8  }
0x11: {  	[smem:$0x3FB5] =	sst s9;
	s0 =	simm.s32 @!p0 $0x0  }
0x12: {  	s1 =	sld [smem:$0x3F9B];
	s0 =	simm.s32 @p0 $0x1  }
0x13: {  	[smem:$0x3FB6] =	sst s0;
	s0 =	simm.s32 @!p1 $0x0  }
0x14: {  	s2 =	sld [smem:$0x3F9A];
	s0 =	simm.s32 @p1 $0x1  }
0x15: {  	[smem:$0x3FB7] =	sst s0;
	s0 =	simm.s32 @!p2 $0x0  }
0x16: {  	s3 =	sld [smem:$0x3FDB];
	s0 =	simm.s32 @p2 $0x1  }
0x17: {  	s4 =	simm.s32 $0x1BF5;
	[smem:$0x3FB9] =	sst s0  }
0x18: {  	s0 =	sld [smem:$0x3F9C];
	_ =	swait.ge [sflag:s4], $0x0  }
0x19: {  	s7 =	sld [smem:$0x3F9D]  }
0x1a: {  	s8 =	sadd.s32 $0xFFFFE003, lr  }
0x1b: {  	s9 =	sadd.s32 $0xFFFFFEF7, lr;
	s5 =	simm.s32 $0xFFFFFFFF;
	p2 =	slt.u32 s8, $0xFFFFF086  }
0x1c: {  	p1 =	slt.u32 s9, $0xF7A;
	s5 =	simm.s32 @!p2 $0x0  }
0x1d: {  	s5 =	simm.s32 @p1 $0x1;
	p0 =	seq.s32 s7, s2  }
0x1e: {  	s7 =	smul.u32 @!p0 $0xF7A, s2;
	p2 =	seq.s32 @!p0 s5, $0x0  }
0x1f: {  	s9 =	smul.u32 $0xF7A, s1;
	s8 =	simm.s32 @!p0 $0x1BF5;
	p2 =	por !p2, p0  }
0x20: {  	[sflag:s8] =	ssyncset.s32 @!p0 $0xFFFFF086;
	s6 =	sadd.s32 @!p0 s3, s7;
	s7 =	simm.s32 @!p0 $0x108  }
0x21: {  	s3 =	sadd.s32 s3, s9;
	s6 =	sadd.s32 @!p0 $0x88, s6;
	s7 =	simm.s32 @p2 $0x1082  }
0x22: {  	[simem:s7], [sflag:s8] =	dma.local @!p0 [hbm:s6], $0xF7A  }
0x23: {  	s9 =	sor.u32 $0xD0000000, s2;
	s6 =	simm.s32 $0x108;
	_ =	swait.ge @!p0 [sflag:s8], $0x0  }
0x24: {  	s3 =	sadd.s32 $0x88, s3;
	s6 =	simm.s32 @!p1 $0x1082;
	[sflag:s4] =	ssyncset.s32 $0xFFFFF086  }
0x25: {  	[simem:s6], [sflag:s4] =	dma.local [hbm:s3], $0xF7A  }
0x26: {  	[smem:$0x3F9D] =	sst s1;
	(tag) =	ssettag s2;
	_ =	strace s9  }
0x27: {  	s1 =	sld [smem:$0x3FAD]  }
0x28: {  	s2 =	sld [smem:$0x3FAE]  }
0x29: {  	s4 =	sld [smem:$0x3FB0]  }
0x2a: {  	p0 =	seq.s32 s5, $0x0;
	s5 =	sld [smem:$0x3FB1]  }
0x2b: {  	s6 =	sld [smem:$0x3FB2]  }
0x2c: {  	s7 =	sld [smem:$0x3FB3]  }
0x2d: {  	s3 =	simm.s32 $0x108;
	s8 =	sld [smem:$0x3FB4]  }
0x2e: {  	s3 =	simm.s32 @!p0 $0x1082;
	s9 =	sld [smem:$0x3FB5]  }
0x2f: {  	lr =	sadd.s32 s0, s3;
	s0 =	sld [smem:$0x3FAC]  }
0x30: {  	s3 =	sld [smem:$0x3FAF]  }
0x31: {  	[smem:$0x3FB8] =	sst s10  }
0x32: {  	s10 =	sld [smem:$0x3FB6];
	_ =	sdelay $0x3  }
0x33: {  	p0 =	seq.s32 s10, $0x1;
	s10 =	sld [smem:$0x3FB8];
	_ =	sdelay $0x3  }
0x34: {  	[smem:$0x3FB8] =	sst s10  }
0x35: {  	s10 =	sld [smem:$0x3FB7];
	_ =	sdelay $0x3  }
0x36: {  	p1 =	seq.s32 s10, $0x1;
	s10 =	sld [smem:$0x3FB8];
	_ =	sdelay $0x3  }
0x37: {  	[smem:$0x3FB8] =	sst s10  }
0x38: {  	s10 =	sld [smem:$0x3FB9]  }
0x39: {  	_ = 	snop;
	(pc) =	sbr.ind lr, $3  }
0x3a: {  	_ = 	snop  }
0x3b: {  	_ = 	snop  }
0x3c: {  	p2 =	seq.s32 s10, $0x1;
	s10 =	sld [smem:$0x3FB8]  }
0x3d: {  	_ =	shalt  }
0x3e: {  	_ =	shalt  }
0x3f: {  	_ =	shalt  }
0x40: {  	_ =	shalt  }
0x41: {  	_ =	shalt  }
0x42: {  	_ =	shalt  }
0x43: {  	_ =	shalt  }
0x44: {  	_ =	shalt  }
0x45: {  	_ =	shalt  }
0x46: {  	_ =	shalt  }
0x47: {  	_ =	shalt  }
0x48: {  	_ =	shalt  }
0x49: {  	_ =	shalt  }
0x4a: {  	_ =	shalt  }
0x4b: {  	_ =	shalt  }
0x4c: {  	_ =	shalt  }
0x4d: {  	_ =	shalt  }
0x4e: {  	_ =	shalt  }
0x4f: {  	_ =	shalt  }
0x50: {  	_ =	shalt  }
0x51: {  	_ =	shalt  }
0x52: {  	_ =	shalt  }
0x53: {  	_ =	shalt  }
0x54: {  	_ =	shalt  }
0x55: {  	_ =	shalt  }
0x56: {  	_ =	shalt  }
0x57: {  	_ =	shalt  }
0x58: {  	_ =	shalt  }
0x59: {  	_ =	shalt  }
0x5a: {  	_ =	shalt  }
0x5b: {  	_ =	shalt  }
0x5c: {  	_ =	shalt  }
0x5d: {  	_ =	shalt  }
0x5e: {  	_ =	shalt  }
0x5f: {  	_ =	shalt  }
0x60: {  	_ =	shalt  }
0x61: {  	_ =	shalt  }
0x62: {  	_ =	shalt  }
0x63: {  	_ =	shalt  }
0x64: {  	_ =	shalt  }
0x65: {  	_ =	shalt  }
0x66: {  	_ =	shalt  }
0x67: {  	_ =	shalt  }
0x68: {  	_ =	shalt  }
0x69: {  	_ =	shalt  }
0x6a: {  	_ =	shalt  }
0x6b: {  	_ =	shalt  }
0x6c: {  	_ =	shalt  }
0x6d: {  	_ =	shalt  }
0x6e: {  	_ =	shalt  }
0x6f: {  	_ =	shalt  }
0x70: {  	_ =	shalt  }
0x71: {  	_ =	shalt  }
0x72: {  	_ =	shalt  }
0x73: {  	_ =	shalt  }
0x74: {  	_ =	shalt  }
0x75: {  	_ =	shalt  }
0x76: {  	_ =	shalt  }
0x77: {  	_ =	shalt  }
0x78: {  	_ =	shalt  }
0x79: {  	_ =	shalt  }
0x7a: {  	_ =	shalt  }
0x7b: {  	_ =	shalt  }
0x7c: {  	_ =	shalt  }
0x7d: {  	_ =	shalt  }
0x7e: {  	_ =	shalt  }
0x7f: {  	_ =	shalt  }
0x80: {  	_ =	shalt  }
0x81: {  	_ =	shalt  }
0x82: {  	_ =	shalt  }
0x83: {  	_ =	shalt  }
0x84: {  	_ =	shalt  }
0x85: {  	_ =	shalt  }
0x86: {  	_ =	shalt  }
0x87: {  	_ =	shalt  }
.Lfunc_end0:
.L_simem_size_0:
called_computation.1_lowered:
.L_overlay_start_0:
0x88: {  	s2 =	sld [smem:$0x3FD9]  }
0x89: {  	s3 =	sld [smem:$0x3FFE];
	_ =	sdelay $0x1  }
0x8a: {  	s1 =	srdreg.scid  }
0x8b: {  	s0 =	sand.u32 $0x1, s1  }
0x8c: {  	s17 =	sshll.u32 s0, $0xA;
	s2 =	sadd.s32 s3, s2  }
0x8d: {  	s2 =	sadd.s32 s2, s17  }
0x8e: {  	[smem:$0x3FC4] =	sst s2  }
0x8f: {  	_ = 	snop  }
0x90: {  	s2 =	sld [smem:$0x3FD0];
	(tm) =	ssettm $0x1  }
0x91: {  	s18 =	sld [smem:$0x3FFB];
	_ =	sdelay $0x3  }
0x92: {  	_ =	strace s18  }
0x93: {  	s3 =	sld [smem:$0x3FFC];
	_ =	sdelay $0x3  }
0x94: {  	_ =	strace s3  }
0x95: {  	s3 =	sld [smem:$0x3FFD];
	_ =	sdelay $0x3  }
0x96: {  	_ =	strace s3  }
0x97: {  	_ =	strace $0x8FFFFFFF  }
0x98: {  	s19 =	sld [smem:$0x3FDB];
	_ =	sdelay $0x1  }
0x99: {  	s4 =	simm.s32 $_scs_section_size  }
0x9a: {  	s5 =	simm.s32 $_size__tile_overlayer_lowered;
	s6 =	simm.s32 $_tile_overlayer_lowered  }
0x9b: {  	s22 =	simm.s32 $0x1BFF;
	s21 =	sshll.u32 s6, $0x1;
	s3 =	sadd.s32 s4, s19  }
0x9c: {  	s7 =	simm.s32 $0x0;
	s20 =	sshll.u32 s5, $0x1;
	s5 =	sadd.s32 s21, s3  }
0x9d: {  	[timem:s7], [sflag:s22] =	dma.local [hbm:s5], s20  }
0x9e: {  	_ =	swait.ge [sflag:s22], s20  }
0x9f: {  	s4 =	ssub.s32 $0x0, s20;
	[sflag:s22] =	ssyncset.done $0x0  }
0xa0: {  	[sflag:s22] =	ssyncadd.s32 s4;
	_ =	sdelay $0x1  }
0xa1: {  	s23 =	simm.s32 $0x1B8B  }
0xa2: {  	_ =	swait.ge [sflag:s23], $0x1  }
0xa3: {  	[sflag:s23] =	ssyncset.done $0x0  }
0xa4: {  	s25 =	simm.s32 $0x1B8E;
	s24 =	sld [smem:$0x3FFE];
	[sflag:s23] =	ssyncadd.s32 $0xFFFFFFFF  }
0xa5: {  	s26 =	simm.s32 $execute0_lowered;
	[smem:$0x3FD2] =	sst s25  }
0xa6: {  	s5 =	sshll.u32 s26, $0x1;
	_ =	strace $0x80000046;
	[dreg:$0x1] =	wrdreg $0xFFFFFFFF  }
0xa7: {  	s28 =	simm.s32 $_size_execute0_lowered;
	s3 =	sadd.s32 s3, s5;
	[dreg:$0x0] =	wrdreg $0x0  }
0xa8: {  	s5 =	sshll.u32 s28, $0x1;
	[dreg:$0x2] =	wrdreg s3  }
0xa9: {  	[dreg:$0x3] =	wrdreg s5  }
0xaa: {  	[dreg:$0x4] =	wrdreg $0xC0  }
0xab: {  	_ =	task [dreg:s7], $0x5FFFF  }
0xac: {  	[dreg:$0x1] =	wrdreg $0xFFFFFFFF  }
0xad: {  	[dreg:$0x0] =	wrdreg $0x60  }
0xae: {  	[dreg:$0x2] =	wrdreg s24  }
0xaf: {  	[dreg:$0x3] =	wrdreg s2  }
0xb0: {  	[dreg:$0x4] =	wrdreg $0x9  }
0xb1: {  	_ =	task.clear_ibuf [dreg:s7], $0x5FFFF;
	_ =	strace $0x90000046  }
0xb2: {  	s29 =	simm.s32 $0x9;
	_ =	strace $0x80000048  }
0xb3: {  	_ =	swait.ge [sflag:s29], $0x1  }
0xb4: {  	[sflag:s29] =	ssyncadd.s32 $0xFFFFFFFF  }
0xb5: {  	_ =	strace $0x90000048  }
0xb6: {  	_ =	sfence  }
0xb7: {  	s30 =	sld [smem:$0x0];
	_ =	sdelay $0x2  }
0xb8: {  	s31 =	sshll.u32 s1, $0xD;
	s1 =	sshrl.u32 s1, $0x2  }
0xb9: {  	s3 =	sand.u32 $0x4000, s31;
	s1 =	sadd.s32 s1, s30  }
0xba: {  	s0 =	sor.u32 s3, s0;
	s1 =	sshll.u32 s1, $0x11  }
0xbb: {  	s0 =	sor.u32 s1, s0  }
0xbc: {  	s0 =	sadd.s32 $0x8F2B, s0  }
0xbd: {  	[sflag:s0] =	ssyncadd.remote.s32 $0x1  }
0xbe: {  	_ =	sfence.sel $0xFFFF  }
0xbf: {  	[dreg:$0x0] =	wrdreg $0xFFFFFFFF;
	(pc) =	sbr.abs _section_cstart, $3  }
0xc0: {  	[dreg:$0x1] =	wrdreg $0xFFFFFFFF  }
0xc1: {  	_ =	task.clear_ibuf [dreg:s7], $0x2FFFF;
	_ =	strace $0x9FFFFFFF  }
0xc2: {  	(tm) =	ssettm $0x7FFFFFFF  }
0xc3: {  	_ =	shalt  }
tec
execute0_lowered:
.L_overlay_start_1:
0x0: {  	(tag) =	ssettag $0x1  }
0x1: {  	s0 =	rddreg [dreg:$0x0]  }
0x2: {  	s1 =	srdreg.scid;
	s2 =	stileid.u32  }
0x3: {  	s5 =	rddreg [dreg:$0x1];
	s7 =	simm.s32 $0x2;
	s8 =	simm.s32 $0x50  }
0x4: {  	s31 =	simm.s32 $0xE240;
	s9 =	simm.s32 $0x410;
	s10 =	simm.s32 $0x10A40  }
0x5: {  	s11 =	simm.s32 $0x460;
	s12 =	simm.s32 $0x11E40;
	s13 =	simm.s32 $0x4B0  }
0x6: {  	s14 =	simm.s32 $0x13240;
	s15 =	simm.s32 $0x500;
	s16 =	simm.s32 $0x14640  }
0x7: {  	s17 =	simm.s32 $0x550;
	s18 =	simm.s32 $0x15A40;
	s19 =	simm.s32 $0x5A0  }
0x8: {  	s20 =	simm.s32 $0x16E40;
	s21 =	simm.s32 $0x5F0;
	s22 =	simm.s32 $0x18240  }
0x9: {  	s23 =	simm.s32 $0x1;
	s24 =	simm.s32 $0x19640;
	s25 =	simm.s32 $0x0  }
0xa: {  	s1 =	sand.u32 $0x1, s1;
	s3 =	sshll.u32 s2, $0x1;
	s2 =	simm.s32 $0x0  }
0xb: {  	s6 =	sor.u32 s1, s3;
	[smem:$0x7FF] =	sst s2;
	s1 =	ssub.s32 $0x2, s1  }
0xc: {  	s3 =	sadd.s32 $0x4200, s0;
	s4 =	smul.u32 $0xC8, s6;
	s29 =	sshrl.u32 s1, $0x1  }
0xd: {  	_ =	strace $0x80000047;
	s30 =	sshll.u32 s6, $0x8;
	s1 =	ssub.s32 s1, s29  }
0xe: {  	s5 =	sadd.s32 s5, s30;
	s0 =	sadd.s32 s4, s0;
	s6 =	smax.u32 s1, $0x1  }
0xf: {  	s1 =	simm.s32 $0x3C0;
	s4 =	sadd.s32 $0x2800, s0;
	s0 =	simm.s32 $0xF640  }
.LBB2_1:
0x10: {  	[tilespmem:s2], [sflag:$0x2] =	stream.linear.gather [hbm4b:s4+s2], $0x640, $0x38;
	[tilespmem:$0x19E40] =	vst v63  }
0x11: {  	_ =	swait.ge [sflag:s7], $0x640  }
0x12: {  	[sflag:s7] =	ssyncset.done $0x0  }
0x13: {  	s26 =	simm.s32 $0x640;
	[sflag:s7] =	ssyncadd.s32 $0xFFFFF9C0  }
0x14: {  	[tilespmem:s26], [sflag:$0x1] =	stream.indirect.gather [hbm4b:s3+s8], $0x40, s2, s8, $0xb8;
	[tilespmem:$0x19E40] =	vst v63  }
0x15: {  	s30 =	simm.s32 $0x1A40  }
0x16: {  	[tilespmem:s30], [sflag:$0x1] =	stream.indirect.gather [hbm4b:s3+s8], $0x40, s8, s8, $0xb8;
	[tilespmem:$0x19E40] =	vst v63  }
0x17: {  	s29 =	simm.s32 $0xA0;
	s28 =	simm.s32 $0x2E40  }
0x18: {  	[tilespmem:s28], [sflag:$0x1] =	stream.indirect.gather [hbm4b:s3+s8], $0x40, s29, s8, $0xb8;
	[tilespmem:$0x19E40] =	vst v63  }
0x19: {  	s30 =	simm.s32 $0xF0;
	s28 =	simm.s32 $0x4240  }
0x1a: {  	[tilespmem:s28], [sflag:$0x1] =	stream.indirect.gather [hbm4b:s3+s8], $0x40, s30, s8, $0xb8;
	[tilespmem:$0x19E40] =	vst v63  }
0x1b: {  	s29 =	simm.s32 $0x140;
	s28 =	simm.s32 $0x5640  }
0x1c: {  	[tilespmem:s28], [sflag:$0x1] =	stream.indirect.gather [hbm4b:s3+s8], $0x40, s29, s8, $0xb8;
	[tilespmem:$0x19E40] =	vst v63  }
0x1d: {  	s30 =	simm.s32 $0x190;
	s28 =	simm.s32 $0x6A40  }
0x1e: {  	[tilespmem:s28], [sflag:$0x1] =	stream.indirect.gather [hbm4b:s3+s8], $0x40, s30, s8, $0xb8;
	[tilespmem:$0x19E40] =	vst v63  }
0x1f: {  	s29 =	simm.s32 $0x1E0;
	s28 =	simm.s32 $0x7E40  }
0x20: {  	[tilespmem:s28], [sflag:$0x1] =	stream.indirect.gather [hbm4b:s3+s8], $0x40, s29, s8, $0xb8;
	[tilespmem:$0x19E40] =	vst v63  }
0x21: {  	s30 =	simm.s32 $0x230;
	s28 =	simm.s32 $0x9240  }
0x22: {  	[tilespmem:s28], [sflag:$0x1] =	stream.indirect.gather [hbm4b:s3+s8], $0x40, s30, s8, $0xb8;
	[tilespmem:$0x19E40] =	vst v63  }
0x23: {  	s29 =	simm.s32 $0x280;
	s28 =	simm.s32 $0xA640  }
0x24: {  	[tilespmem:s28], [sflag:$0x1] =	stream.indirect.gather [hbm4b:s3+s8], $0x40, s29, s8, $0xb8;
	[tilespmem:$0x19E40] =	vst v63  }
0x25: {  	s30 =	simm.s32 $0x2D0;
	s28 =	simm.s32 $0xBA40  }
0x26: {  	[tilespmem:s28], [sflag:$0x1] =	stream.indirect.gather [hbm4b:s3+s8], $0x40, s30, s8, $0xb8;
	[tilespmem:$0x19E40] =	vst v63  }
0x27: {  	s29 =	simm.s32 $0x320;
	s28 =	simm.s32 $0xCE40  }
0x28: {  	[tilespmem:s28], [sflag:$0x1] =	stream.indirect.gather [hbm4b:s3+s8], $0x40, s29, s8, $0xb8;
	[tilespmem:$0x19E40] =	vst v63  }
0x29: {  	s30 =	simm.s32 $0x370  }
0x2a: {  	[tilespmem:s31], [sflag:$0x1] =	stream.indirect.gather [hbm4b:s3+s8], $0x40, s30, s8, $0xb8;
	[tilespmem:$0x19E40] =	vst v63  }
0x2b: {  	_ = 	snop  }
0x2c: {  	[tilespmem:s0], [sflag:$0x1] =	stream.indirect.gather [hbm4b:s3+s8], $0x40, s1, s8, $0xb8;
	[tilespmem:$0x19E40] =	vst v63  }
0x2d: {  	_ = 	snop  }
0x2e: {  	[tilespmem:s10], [sflag:$0x1] =	stream.indirect.gather [hbm4b:s3+s8], $0x40, s9, s8, $0xb8;
	[tilespmem:$0x19E40] =	vst v63  }
0x2f: {  	_ = 	snop  }
0x30: {  	[tilespmem:s12], [sflag:$0x1] =	stream.indirect.gather [hbm4b:s3+s8], $0x40, s11, s8, $0xb8;
	[tilespmem:$0x19E40] =	vst v63  }
0x31: {  	_ = 	snop  }
0x32: {  	[tilespmem:s14], [sflag:$0x1] =	stream.indirect.gather [hbm4b:s3+s8], $0x40, s13, s8, $0xb8;
	[tilespmem:$0x19E40] =	vst v63  }
0x33: {  	_ = 	snop  }
0x34: {  	[tilespmem:s16], [sflag:$0x1] =	stream.indirect.gather [hbm4b:s3+s8], $0x40, s15, s8, $0xb8;
	[tilespmem:$0x19E40] =	vst v63  }
0x35: {  	_ = 	snop  }
0x36: {  	[tilespmem:s18], [sflag:$0x1] =	stream.indirect.gather [hbm4b:s3+s8], $0x40, s17, s8, $0xb8;
	[tilespmem:$0x19E40] =	vst v63  }
0x37: {  	_ = 	snop  }
0x38: {  	[tilespmem:s20], [sflag:$0x1] =	stream.indirect.gather [hbm4b:s3+s8], $0x40, s19, s8, $0xb8;
	[tilespmem:$0x19E40] =	vst v63  }
0x39: {  	_ = 	snop  }
0x3a: {  	[tilespmem:s22], [sflag:$0x1] =	stream.indirect.gather [hbm4b:s3+s8], $0x40, s21, s8, $0xb8;
	[tilespmem:$0x19E40] =	vst v63  }
0x3b: {  	_ =	swait.ge [sflag:s23], $0x1400  }
0x3c: {  	[sflag:s23] =	ssyncset.done $0x0  }
0x3d: {  	[sflag:s23] =	ssyncadd.s32 $0xFFFFEC00  }
0x3e: {  	_ =	swait.ge [sflag:s23], $0x1400  }
0x3f: {  	[sflag:s23] =	ssyncset.done $0x0  }
0x40: {  	[sflag:s23] =	ssyncadd.s32 $0xFFFFEC00  }
0x41: {  	_ =	swait.ge [sflag:s23], $0x1400  }
0x42: {  	[sflag:s23] =	ssyncset.done $0x0  }
0x43: {  	[sflag:s23] =	ssyncadd.s32 $0xFFFFEC00  }
0x44: {  	_ =	swait.ge [sflag:s23], $0x1400  }
0x45: {  	[sflag:s23] =	ssyncset.done $0x0  }
0x46: {  	[sflag:s23] =	ssyncadd.s32 $0xFFFFEC00  }
0x47: {  	_ =	swait.ge [sflag:s23], $0x1400  }
0x48: {  	[sflag:s23] =	ssyncset.done $0x0  }
0x49: {  	[sflag:s23] =	ssyncadd.s32 $0xFFFFEC00  }
0x4a: {  	_ =	swait.ge [sflag:s23], $0x1400  }
0x4b: {  	[sflag:s23] =	ssyncset.done $0x0  }
0x4c: {  	[sflag:s23] =	ssyncadd.s32 $0xFFFFEC00  }
0x4d: {  	_ =	swait.ge [sflag:s23], $0x1400  }
0x4e: {  	[sflag:s23] =	ssyncset.done $0x0  }
0x4f: {  	[sflag:s23] =	ssyncadd.s32 $0xFFFFEC00  }
0x50: {  	_ =	swait.ge [sflag:s23], $0x1400  }
0x51: {  	[sflag:s23] =	ssyncset.done $0x0  }
0x52: {  	[sflag:s23] =	ssyncadd.s32 $0xFFFFEC00  }
0x53: {  	_ =	swait.ge [sflag:s23], $0x1400  }
0x54: {  	[sflag:s23] =	ssyncset.done $0x0  }
0x55: {  	[sflag:s23] =	ssyncadd.s32 $0xFFFFEC00  }
0x56: {  	_ =	swait.ge [sflag:s23], $0x1400  }
0x57: {  	[sflag:s23] =	ssyncset.done $0x0  }
0x58: {  	[sflag:s23] =	ssyncadd.s32 $0xFFFFEC00  }
0x59: {  	_ =	swait.ge [sflag:s23], $0x1400  }
0x5a: {  	[sflag:s23] =	ssyncset.done $0x0  }
0x5b: {  	[sflag:s23] =	ssyncadd.s32 $0xFFFFEC00  }
0x5c: {  	_ =	swait.ge [sflag:s23], $0x1400  }
0x5d: {  	[sflag:s23] =	ssyncset.done $0x0  }
0x5e: {  	[sflag:s23] =	ssyncadd.s32 $0xFFFFEC00  }
0x5f: {  	_ =	swait.ge [sflag:s23], $0x1400  }
0x60: {  	[sflag:s23] =	ssyncset.done $0x0  }
0x61: {  	[sflag:s23] =	ssyncadd.s32 $0xFFFFEC00  }
0x62: {  	_ =	swait.ge [sflag:s23], $0x1400  }
0x63: {  	[sflag:s23] =	ssyncset.done $0x0  }
0x64: {  	[sflag:s23] =	ssyncadd.s32 $0xFFFFEC00  }
0x65: {  	_ =	swait.ge [sflag:s23], $0x1400  }
0x66: {  	[sflag:s23] =	ssyncset.done $0x0  }
0x67: {  	[sflag:s23] =	ssyncadd.s32 $0xFFFFEC00  }
0x68: {  	_ =	swait.ge [sflag:s23], $0x1400  }
0x69: {  	[sflag:s23] =	ssyncset.done $0x0  }
0x6a: {  	[sflag:s23] =	ssyncadd.s32 $0xFFFFEC00  }
0x6b: {  	_ =	swait.ge [sflag:s23], $0x1400  }
0x6c: {  	[sflag:s23] =	ssyncset.done $0x0  }
0x6d: {  	[sflag:s23] =	ssyncadd.s32 $0xFFFFEC00  }
0x6e: {  	_ =	swait.ge [sflag:s23], $0x1400  }
0x6f: {  	[sflag:s23] =	ssyncset.done $0x0  }
0x70: {  	[sflag:s23] =	ssyncadd.s32 $0xFFFFEC00  }
0x71: {  	_ =	swait.ge [sflag:s23], $0x1400  }
0x72: {  	[sflag:s23] =	ssyncset.done $0x0  }
0x73: {  	[sflag:s23] =	ssyncadd.s32 $0xFFFFEC00  }
0x74: {  	_ =	swait.ge [sflag:s23], $0x1400  }
0x75: {  	[sflag:s23] =	ssyncset.done $0x0  }
0x76: {  	s26 =	simm.s32 $0x660;
	s28 =	simm.s32 $0x0;
	[sflag:s23] =	ssyncadd.s32 $0xFFFFEC00  }
.LBB2_2:
0x77: {  	v2 =	vmov s26;
	_ =	sdelay $0x3  }
0x78: {  	s30 =	simm.s32 $0x0  }
0x79: {  	v0 =	vld.idx.msk [tilespmem:v2+s30+$0x10 ss:$0x1], $0xffff  }
0x7a: {  	v3 =	vld.idx.msk [tilespmem:v2+s30+$0xFFFFFFE0 ss:$0x1], $0xffff  }
0x7b: {  	v1 =	vimm.f32 $0.0e+00;
	v4 =	vld.idx.msk [tilespmem:v2+s30+$0xFFFFFFF0 ss:$0x1], $0xffff  }
0x7c: {  	s29 =	simm.s32 $0x100;
	v6 =	vimm.f32 $0.0e+00;
	v7 =	vimm.f32 $0.0e+00;
	v8 =	vimm.f32 $0.0e+00;
	v5 =	vld.idx.msk [tilespmem:v2+s30+$0x0 ss:$0x1], $0xffff  }
.LBB2_3:
0x7d: {  	p0 =	sne.s32 s29, $0x3100  }
.Ltmp0:
0x7e: {  	s30 =	sshra.s32 s29, $0x2;
	s29 =	sadd.s32 $0x100, s29;
	(pc) =	sbr.rel @p0 .LBB2_3-.Ltmp0, $4  }
0x7f: {  	v1 =	vadd.f32 v0, v1;
	v0 =	vld.idx.msk [tilespmem:v2+s30+$0x10 ss:$0x1], $0xffff  }
0x80: {  	v6 =	vadd.f32 v3, v6;
	v3 =	vld.idx.msk [tilespmem:v2+s30+$0xFFFFFFE0 ss:$0x1], $0xffff  }
0x81: {  	v7 =	vadd.f32 v4, v7;
	v4 =	vld.idx.msk [tilespmem:v2+s30+$0xFFFFFFF0 ss:$0x1], $0xffff  }
0x82: {  	v8 =	vadd.f32 v5, v8;
	v5 =	vld.idx.msk [tilespmem:v2+s30+$0x0 ss:$0x1], $0xffff  }
0x83: {  	_ = 	snop  }
0x84: {  	v0 =	vadd.f32 v0, v1  }
0x85: {  	s29 =	sshll.u32 s28, $0x6;
	s28 =	sadd.s32 $0x1, s28;
	v2 =	vadd.f32 v3, v6  }
0x86: {  	p0 =	sne.s32 s28, $0x20;
	v60 =	vadd.f32 v4, v7;
	v0 =	vmul.f32 $1.999999960e-02, v0  }
.Ltmp1:
0x87: {  	s29 =	sand.u32 $0x3FFFFFC0, s29;
	v61 =	vadd.f32 v5, v8;
	v2 =	vmul.f32 $1.999999960e-02, v2;
	(pc) =	sbr.rel @p0 .LBB2_2-.Ltmp1, $4  }
0x88: {  	v62 =	vmul.f32 $1.999999960e-02, v60;
	[tilespmem:s29+$0x19670] =	vst v0  }
0x89: {  	[tilespmem:s29+$0x19640] =	vst v2;
	v63 =	vmul.f32 $1.999999960e-02, v61  }
0x8a: {  	[tilespmem:s29+$0x19650] =	vst v62  }
0x8b: {  	s26 =	sadd.s32 $0xC80, s26;
	[tilespmem:s29+$0x19660] =	vst v63  }
0x8c: {  	s25 =	sadd.s32 $0x1, s25  }
0x8d: {  	p0 =	sne.s32 s25, s6  }
.Ltmp2:
0x8e: {  	_ = 	snop;
	(pc) =	sbr.rel @p0 .LBB2_1-.Ltmp2, $4  }
0x8f: {  	[hbm4b:s5+s2] =	stream.linear.scatter [tilespmem:s24], [sflag:$0x2], $0x800, $0x38;
	[tilespmem:$0x19E40] =	vst v63  }
0x90: {  	_ =	swait.ge [sflag:s7], $0x800  }
0x91: {  	[sflag:s7] =	ssyncset.done $0x0  }
0x92: {  	[sflag:s7] =	ssyncadd.s32 $0xFFFFF800  }
0x93: {  	_ =	sfence.sel $0x180000  }
0x94: {  	[bflag:$0x0] =	sbarrier.arrive $0xFFFF  }
0x95: {  	_ =	strace $0x90000047  }
0x96: {  	s0 =	stileid.u32;
	[bflag:$0x2] =	sbarrier.arrive $0xFFFF  }
0x97: {  	p0 =	sne.s32 s0, $0x0;
	s0 =	rddreg [dreg:$0x2]  }
0x98: {  	s0 =	sadd.s32 @!p0 $0x100000, s0  }
0x99: {  	[sflag:s0] =	ssyncadd.tile.s32 @!p0 $0x1;
	_ =	shalt  }
.Lfunc_end2:
_tile_overlayer_lowered:
.L_overlay_start_2:
0x9a: {  	(tag) =	ssettag $0x2  }
0x9b: {  	s0 =	rddreg [dreg:$0x0];
	s2 =	stileid.u32  }
0x9c: {  	s1 =	rddreg [dreg:$0x1];
	p0 =	sne.s32 s2, $0x0  }
0x9d: {  	s3 =	rddreg [dreg:$0x2];
	[bflag:$0x3] =	sbarrier.arrive $0xFFFF;
	s2 =	simm.s32 @!p0 $0x1C02  }
0x9e: {  	[timem:s3], [sflag:s2] =	dma.local @!p0 [hbm:s0], s1  }
0x9f: {  	s0 =	simm.s32 @!p0 $0x2  }
0xa0: {  	_ =	swait.ge @!p0 [sflag:s0], s1  }
0xa1: {  	s1 =	ssub.s32 @!p0 $0x0, s1;
	[sflag:s0] =	ssyncset.done @!p0 $0x0  }
0xa2: {  	[sflag:s0] =	ssyncadd.s32 @!p0 s1  }
0xa3: {  	[bflag:$0x3] =	sbarrier.arrive $0xFFFF  }
0xa4: {  	_ =	shalt  }

// kernel: sparse-core-data-format-call.cloned.1.call-start
scs
called_computation_lowered:
.L_overlay_start_0:
0x0: {  	s2 =	sld [smem:$0x3FD9]  }
0x1: {  	s3 =	sld [smem:$0x3FFE];
	_ =	sdelay $0x1  }
0x2: {  	s1 =	srdreg.scid  }
0x3: {  	s0 =	sand.u32 $0x1, s1  }
0x4: {  	s18 =	sshll.u32 s0, $0xA;
	s2 =	sadd.s32 s3, s2  }
0x5: {  	s2 =	sadd.s32 s2, s18  }
0x6: {  	[smem:$0x3FC4] =	sst s2  }
0x7: {  	_ = 	snop  }
0x8: {  	s2 =	sld [smem:$0x3FD0];
	(tm) =	ssettm $0x1  }
0x9: {  	s19 =	sld [smem:$0x3FFB];
	_ =	sdelay $0x3  }
0xa: {  	_ =	strace s19  }
0xb: {  	s3 =	sld [smem:$0x3FFC];
	_ =	sdelay $0x3  }
0xc: {  	_ =	strace s3  }
0xd: {  	s3 =	sld [smem:$0x3FFD];
	_ =	sdelay $0x3  }
0xe: {  	_ =	strace s3  }
0xf: {  	_ =	strace $0x8FFFFFFF  }
0x10: {  	s20 =	sld [smem:$0x3FDB];
	_ =	sdelay $0x1  }
0x11: {  	s4 =	simm.s32 $_scs_section_size  }
0x12: {  	s5 =	simm.s32 $_size__tile_overlayer_lowered;
	s6 =	simm.s32 $_tile_overlayer_lowered  }
0x13: {  	s23 =	simm.s32 $0x1BFF;
	s22 =	sshll.u32 s6, $0x1;
	s3 =	sadd.s32 s4, s20  }
0x14: {  	s7 =	simm.s32 $0x0;
	s21 =	sshll.u32 s5, $0x1;
	s5 =	sadd.s32 s22, s3  }
0x15: {  	[timem:s7], [sflag:s23] =	dma.local [hbm:s5], s21  }
0x16: {  	_ =	swait.ge [sflag:s23], s21  }
0x17: {  	s4 =	ssub.s32 $0x0, s21;
	[sflag:s23] =	ssyncset.done $0x0  }
0x18: {  	[sflag:s23] =	ssyncadd.s32 s4;
	_ =	sdelay $0x1  }
0x19: {  	s24 =	simm.s32 $0x1B8B  }
0x1a: {  	_ =	swait.ge [sflag:s24], $0x1  }
0x1b: {  	[sflag:s24] =	ssyncset.done $0x0  }
0x1c: {  	s26 =	simm.s32 $0x1B8E;
	s25 =	sld [smem:$0x3FFE];
	[sflag:s24] =	ssyncadd.s32 $0xFFFFFFFF  }
0x1d: {  	s27 =	simm.s32 $execute0_lowered;
	[smem:$0x3FD2] =	sst s26  }
0x1e: {  	s5 =	sshll.u32 s27, $0x1;
	_ =	strace $0x80000049;
	[dreg:$0x1] =	wrdreg $0xFFFFFFFF  }
0x1f: {  	s28 =	simm.s32 $_size_execute0_lowered;
	s3 =	sadd.s32 s3, s5;
	[dreg:$0x0] =	wrdreg $0x0  }
0x20: {  	s5 =	sshll.u32 s28, $0x1;
	[dreg:$0x2] =	wrdreg s3  }
0x21: {  	[dreg:$0x3] =	wrdreg s5  }
0x22: {  	[dreg:$0x4] =	wrdreg $0xC0  }
0x23: {  	_ =	task [dreg:s7], $0x5FFFF  }
0x24: {  	[dreg:$0x1] =	wrdreg $0xFFFFFFFF  }
0x25: {  	[dreg:$0x0] =	wrdreg $0x60  }
0x26: {  	[dreg:$0x2] =	wrdreg s2  }
0x27: {  	[dreg:$0x3] =	wrdreg s25  }
0x28: {  	[dreg:$0x4] =	wrdreg $0x9  }
0x29: {  	_ =	task.clear_ibuf [dreg:s7], $0x5FFFF;
	_ =	strace $0x90000049  }
0x2a: {  	s29 =	simm.s32 $0x9;
	_ =	strace $0x8000004B  }
0x2b: {  	_ =	swait.ge [sflag:s29], $0x1  }
0x2c: {  	[sflag:s29] =	ssyncadd.s32 $0xFFFFFFFF  }
0x2d: {  	_ =	strace $0x9000004B  }
0x2e: {  	_ =	sfence  }
0x2f: {  	s30 =	sld [smem:$0x0];
	_ =	sdelay $0x2  }
0x30: {  	s31 =	sshll.u32 s1, $0xD;
	s1 =	sshrl.u32 s1, $0x2  }
0x31: {  	s3 =	sand.u32 $0x4000, s31;
	s1 =	sadd.s32 s1, s30  }
0x32: {  	s0 =	sor.u32 s3, s0;
	s1 =	sshll.u32 s1, $0x11  }
0x33: {  	s0 =	sor.u32 s1, s0  }
0x34: {  	s0 =	sadd.s32 $0x8F2B, s0  }
0x35: {  	[sflag:s0] =	ssyncadd.remote.s32 $0x1  }
0x36: {  	_ =	sfence.sel $0xFFFF  }
0x37: {  	[dreg:$0x0] =	wrdreg $0xFFFFFFFF;
	(pc) =	sbr.abs _section_cstart, $3  }
0x38: {  	[dreg:$0x1] =	wrdreg $0xFFFFFFFF  }
0x39: {  	_ =	task.clear_ibuf [dreg:s7], $0x2FFFF;
	_ =	strace $0x9FFFFFFF  }
0x3a: {  	(tm) =	ssettm $0x7FFFFFFF  }
0x3b: {  	_ =	shalt  }
tec
execute0_lowered:
.L_overlay_start_1:
0x0: {  	(tag) =	ssettag $0x1  }
0x1: {  	s0 =	stileid.u32;
	s1 =	srdreg.scid  }
0x2: {  	s2 =	sshll.u32 s0, $0x7;
	s3 =	sshll.u32 s0, $0x5;
	s4 =	sshll.u32 s1, $0x9  }
0x3: {  	s6 =	simm.s32 $0x1;
	s1 =	sand.u32 $0x380, s2;
	s27 =	sor.u32 s3, s4  }
0x4: {  	s7 =	simm.s32 $0x1;
	s2 =	sand.u32 $0x300, s27;
	s28 =	ssub.s32 $0x400, s1  }
0x5: {  	s31 =	rddreg [dreg:$0x1];
	s29 =	sand.u32 $0x380, s28;
	s5 =	ssub.s32 $0x800, s2  }
0x6: {  	s8 =	simm.s32 $0x2;
	p0 =	sne.s32 s29, $0x0;
	s30 =	sand.u32 $0x300, s5  }
0x7: {  	s16 =	simm.s32 $0x0;
	s6 =	simm.s32 @!p0 $0x0;
	p0 =	sne.s32 s30, $0x0  }
0x8: {  	s3 =	sshrl.u32 s28, $0xA;
	s5 =	sshrl.u32 s5, $0xA;
	s7 =	simm.s32 @!p0 $0x0  }
0x9: {  	s9 =	simm.s32 $0x1000;
	s3 =	sadd.s32 s6, s3;
	s5 =	sadd.s32 s7, s5  }
0xa: {  	s14 =	simm.s32 $0x0;
	s15 =	simm.s32 $0x0;
	s6 =	smul.u32 s5, s3  }
.Ltmp0:
0xb: {  	s12 =	simm.s32 $0x0;
	s4 =	rddreg [dreg:$0x0];
	(pc) =	sbr.rel .LBB1_1-.Ltmp0, $4  }
0xc: {  	s13 =	simm.s32 $0x0;
	s11 =	smov.u32 s1;
	s3 =	rddreg [dreg:$0x2]  }
0xd: {  	_ =	strace $0x8000004A;
	s5 =	simm.s32 $0x1;
	s6 =	smul.u32 $0x31, s6  }
0xe: {  	s10 =	smov.u32 s2;
	p0 =	por $0x0, $0x0;
	[sflag:s5] =	ssyncpa.u1 $0x0  }
0xf: {  	s7 =	sadd.s32 $0xA800, s31;
	[sflag:s8] =	ssyncpa.u1 $0x0;
	s8 =	sadd.s32 $0x1, s6  }
.LBB1_4:
0x10: {  	[tilespmem:s19+$0x1 ss:$0x81] =	vst.msk $0xffff, v11;
	v7 =	vcombine.high v7, v9;
	v4 =	vperm.xlane.i2c.b16 v4;
	v48 =	vld [tilespmem:s20+$0x230]  }
0x11: {  	[tilespmem:s19+$0x810 ss:$0x81] =	vst.msk $0xffff, v12;
	v49 =	vcombine.low v8, v10;
	v2 =	vperm.xlane.i2c.b16 v2;
	v50 =	vld [tilespmem:s20+$0x240]  }
0x12: {  	v51 =	vcombine.high v8, v10;
	v52 =	vld [tilespmem:s20+$0x250];
	v0 =	vcombine.high v0, v1;
	[tilespmem:s19+$0x811 ss:$0x81] =	vst.msk $0xffff, v7  }
0x13: {  	v5 =	vperm.xlane.i2c.b16 v5;
	v3 =	vperm.xlane.i2c.b16 v3;
	[tilespmem:s19+$0x1020 ss:$0x81] =	vst.msk $0xffff, v49  }
0x14: {  	v54 =	vperm.xlane.i2c.b16 v6;
	v53 =	vcombine.low v4, v2;
	[tilespmem:s17+$0x3061 ss:$0x81] =	vst.msk $0xffff, v0  }
0x15: {  	v2 =	vcombine.high v4, v2;
	v55 =	vcombine.low v5, v3;
	[tilespmem:s19+$0x1021 ss:$0x81] =	vst.msk $0xffff, v51  }
0x16: {  	v57 =	vcombine.high v5, v3;
	[tilespmem:s19+$0x1830 ss:$0x81] =	vst.msk $0xffff, v53;
	v56 =	vperm.xlane.i2c.b16 v48  }
0x17: {  	s18 =	sshll.u32 s16, $0xA;
	s27 =	sshll.u32 s14, $0x3;
	s28 =	sshll.u32 s16, $0x7;
	[tilespmem:s19+$0x2040 ss:$0x81] =	vst.msk $0xffff, v55;
	v58 =	vperm.xlane.i2c.b16 v50;
	v60 =	vperm.xlane.i2c.b16 v52  }
0x18: {  	s21 =	sshll.u32 s14, $0x1;
	s15 =	sshll.u32 s15, $0x11;
	s18 =	sand.u32 $0x1FE000, s18;
	[tilespmem:s19+$0x1831 ss:$0x81] =	vst.msk $0xffff, v2;
	v59 =	vcombine.low v54, v56  }
0x19: {  	s20 =	sand.u32 $0x1FFC00, s27;
	s16 =	sand.u32 $0x300, s28;
	s29 =	sand.u32 $0xF0, s21;
	[tilespmem:s19+$0x2041 ss:$0x81] =	vst.msk $0xffff, v57;
	v62 =	vcombine.low v58, v60  }
0x1a: {  	s30 =	sand.u32 $0x7, s14;
	s18 =	sadd.s32 s20, s18;
	s16 =	sor.u32 s29, s16;
	v61 =	vcombine.high v54, v56;
	[tilespmem:s19+$0x2850 ss:$0x81] =	vst.msk $0xffff, v59  }
0x1b: {  	s15 =	sadd.s32 s7, s15;
	s18 =	sshrl.u32 s18, $0x4;
	s16 =	sshrl.u32 s16, $0x4;
	v63 =	vcombine.high v58, v60;
	[tilespmem:s19+$0x3060 ss:$0x81] =	vst.msk $0xffff, v62  }
0x1c: {  	s14 =	sshll.u32 s30, $0x12;
	s31 =	sand.u32 $0x1FFC0, s18;
	s15 =	sadd.s32 s16, s15;
	[tilespmem:s19+$0x2851 ss:$0x81] =	vst.msk $0xffff, v61  }
0x1d: {  	s14 =	sor.u32 $0x200, s14;
	s15 =	sadd.s32 s31, s15;
	[tilespmem:s19+$0x3061 ss:$0x81] =	vst.msk $0xffff, v63  }
0x1e: {  	[hbm4b:s15+s14] =	stream.strided.scatter [tilespmem:s22], [sflag:$0x2], $0x4000, s9, s14, $0x20;
	[tilespmem:$0x10100] =	vst v63  }
.LBB1_5:
0x1f: {  	s17 =	sadd.s32 $0x400, s10  }
0x20: {  	s14 =	sadd.s32 $0x400, s11;
	s18 =	smov.u32 s11;
	p2 =	sgt.s32 s17, $0x7FF  }
0x21: {  	s18 =	smov.u32 @p2 s14  }
0x22: {  	s14 =	simm.s32 $0x1;
	p3 =	sgt.s32 s18, $0x3FF  }
0x23: {  	s14 =	simm.s32 @!p3 $0x0  }
0x24: {  	s20 =	sadd.s32 s14, s12  }
0x25: {  	s17 =	smov.u32 @p2 s2;
	p2 =	sgt.s32 s20, $0x30  }
0x26: {  	p1 =	slt.u32 s13, $0x2;
	s20 =	simm.s32 @p2 $0x0;
	p2 =	sne.s32 s13, s8  }
.Ltmp1:
0x27: {  	s19 =	simm.s32 @!p1 $0x2;
	(pc) =	sbr.rel @!p2 .LBB1_6-.Ltmp1, $4  }
0x28: {  	s16 =	smov.u32 s10;
	s15 =	smov.u32 s12;
	_ =	swait.ge @!p1 [sflag:s19], $0x4000  }
0x29: {  	p0 =	por !p0, !p0;
	[sflag:s19] =	ssyncset.done @!p1 $0x0;
	s10 =	smov.u32 s17  }
0x2a: {  	s18 =	smov.u32 @p3 s1;
	[sflag:s19] =	ssyncadd.s32 @!p1 $0xFFFFC000;
	s14 =	smov.u32 s11  }
0x2b: {  	s11 =	smov.u32 s18;
	s13 =	sadd.s32 $0x1, s13;
	s12 =	smov.u32 s20  }
.LBB1_1:
0x2c: {  	p1 =	sge.u32 s13, s6  }
0x2d: {  	s31 =	sadd.s32 $0xFFFFFFFF, s13;
	s17 =	sshll.u32 @!p1 s11, $0xB  }
0x2e: {  	s18 =	sxor.u32 @!p1 $0xFFFFFFFF, s13;
	s19 =	sshll.u32 @!p1 s10, $0x3;
	s20 =	sshll.u32 @!p1 s11, $0x7  }
0x2f: {  	s21 =	sshll.u32 @!p1 s10, $0x1;
	s17 =	sand.u32 @!p1 $0x1FC000, s17;
	s20 =	sand.u32 @!p1 $0x300, s20  }
0x30: {  	s21 =	sand.u32 @!p1 $0xF0, s21;
	s17 =	sadd.s32 @!p1 s17, s19;
	s19 =	sand.u32 @!p1 $0x400, s19  }
0x31: {  	s19 =	sor.u32 @!p1 s20, s19;
	s20 =	sshll.u32 @!p1 s12, $0x11;
	s17 =	sshrl.u32 @!p1 s17, $0x4  }
0x32: {  	s19 =	sor.u32 @!p1 s21, s19;
	s17 =	sand.u32 @!p1 $0x1FF80, s17;
	s20 =	sadd.s32 @!p1 s4, s20  }
0x33: {  	s19 =	sshrl.u32 @!p1 s19, $0x4;
	s17 =	sadd.s32 @!p1 s17, s20;
	s20 =	sand.u32 @!p1 $0x7, s10  }
0x34: {  	s18 =	sshll.u32 @!p1 s18, $0xE;
	s17 =	sadd.s32 @!p1 s19, s17;
	s19 =	sshll.u32 @!p1 s20, $0x12  }
0x35: {  	s18 =	sand.u32 @!p1 $0x4000, s18;
	s20 =	simm.s32 @!p1 $0x2000;
	s19 =	sor.u32 @!p1 $0x400, s19  }
0x36: {  	[tilespmem:s18], [sflag:$0x1] =	stream.strided.gather @!p1 [hbm4b:s17+s19], $0x4000, s20, s19, $0x38;
	[tilespmem:$0x10100] =	vst v63  }
0x37: {  	p1 =	sge.u32 s31, s6  }
.Ltmp2:
0x38: {  	_ = 	snop;
	(pc) =	sbr.rel @p1 .LBB1_5-.Ltmp2, $1  }
0x39: {  	_ =	sdelay $0x3  }
0x3a: {  	s19 =	sand.u32 $0x1, s13;
	s17 =	simm.s32 $0x0  }
0x3b: {  	_ =	swait.ge [sflag:s5], $0x4000;
	s18 =	sshll.u32 s19, $0xE;
	s20 =	sand.u32 $0x3C00, s17  }
0x3c: {  	[sflag:s5] =	ssyncset.done $0x0;
	s17 =	sand.u32 $0x180, s17;
	s20 =	sadd.s32 s20, s18  }
0x3d: {  	[sflag:s5] =	ssyncadd.s32 $0xFFFFC000;
	s22 =	sadd.s32 s17, s20  }
0x3e: {  	v0 =	vld [tilespmem:s22+$0x260]  }
0x3f: {  	v1 =	vld [tilespmem:s22+$0x270]  }
0x40: {  	v2 =	vld [tilespmem:s22+$0x0]  }
0x41: {  	v3 =	vld [tilespmem:s22+$0x10]  }
0x42: {  	v4 =	vld [tilespmem:s22+$0x20]  }
0x43: {  	s17 =	simm.s32 $0x1;
	v5 =	vld [tilespmem:s22+$0x30]  }
0x44: {  	s17 =	simm.s32 @!p0 $0x0;
	v6 =	vld [tilespmem:s22+$0x40]  }
0x45: {  	v7 =	vld [tilespmem:s22+$0x50];
	s17 =	smul.u32 $0x10200, s17;
	v1 =	vperm.xlane.i2c.b16 v1;
	v0 =	vperm.xlane.i2c.b16 v0  }
0x46: {  	v8 =	vld [tilespmem:s22+$0x60];
	v2 =	vperm.xlane.i2c.b16 v2;
	v3 =	vperm.xlane.i2c.b16 v3  }
0x47: {  	v10 =	vld [tilespmem:s22+$0x70];
	s17 =	sshrl.u32 s17, $0x2;
	v9 =	vcombine.low v0, v1;
	v0 =	vcombine.high v0, v1  }
0x48: {  	s17 =	sor.u32 $0x8000, s17;
	v1 =	vperm.xlane.i2c.b16 v5;
	v5 =	vld [tilespmem:s22+$0x200];
	v11 =	vcombine.low v2, v3  }
0x49: {  	v4 =	vperm.xlane.i2c.b16 v4;
	v2 =	vcombine.high v2, v3;
	v3 =	vld [tilespmem:s22+$0x210];
	[tilespmem:s17+$0x3870 ss:$0x81] =	vst.msk $0xffff, v9  }
0x4a: {  	s30 =	simm.s32 $0x100;
	v6 =	vperm.xlane.i2c.b16 v6;
	v7 =	vperm.xlane.i2c.b16 v7;
	v9 =	vld [tilespmem:s22+$0x220];
	[tilespmem:s17+$0x0 ss:$0x81] =	vst.msk $0xffff, v11  }
0x4b: {  	s21 =	simm.s32 $0x80;
	s20 =	sand.u32 $0x3C00, s30;
	[tilespmem:s17+$0x3871 ss:$0x81] =	vst.msk $0xffff, v0;
	v0 =	vcombine.low v4, v1;
	v1 =	vcombine.high v4, v1;
	v4 =	vld [tilespmem:s22+$0x230]  }
0x4c: {  	s23 =	sand.u32 $0x180, s21;
	s20 =	sadd.s32 s20, s18;
	[tilespmem:s17+$0x1 ss:$0x81] =	vst.msk $0xffff, v2;
	v2 =	vperm.xlane.i2c.b16 v8;
	v8 =	vperm.xlane.i2c.b16 v10;
	v10 =	vld [tilespmem:s22+$0x240]  }
0x4d: {  	s20 =	sadd.s32 s23, s20;
	[tilespmem:s17+$0x810 ss:$0x81] =	vst.msk $0xffff, v0;
	v0 =	vcombine.low v6, v7;
	v6 =	vcombine.high v6, v7;
	v7 =	vld [tilespmem:s22+$0x250]  }
0x4e: {  	v11 =	vcombine.low v2, v8;
	v2 =	vcombine.high v2, v8;
	v8 =	vld [tilespmem:s20+$0x0];
	[tilespmem:s17+$0x811 ss:$0x81] =	vst.msk $0xffff, v1  }
0x4f: {  	v1 =	vperm.xlane.i2c.b16 v5;
	v5 =	vld [tilespmem:s20+$0x260];
	[tilespmem:s17+$0x1020 ss:$0x81] =	vst.msk $0xffff, v0;
	v0 =	vperm.xlane.i2c.b16 v3  }
0x50: {  	v3 =	vld [tilespmem:s20+$0x270];
	[tilespmem:s17+$0x1021 ss:$0x81] =	vst.msk $0xffff, v6;
	v6 =	vperm.xlane.i2c.b16 v9  }
0x51: {  	[tilespmem:s17+$0x1830 ss:$0x81] =	vst.msk $0xffff, v11;
	v11 =	vld [tilespmem:s20+$0x10];
	v4 =	vperm.xlane.i2c.b16 v4;
	v9 =	vcombine.low v1, v0  }
0x52: {  	v12 =	vcombine.high v1, v0;
	v0 =	vperm.xlane.i2c.b16 v10  }
0x53: {  	[tilespmem:s17+$0x1831 ss:$0x81] =	vst.msk $0xffff, v2;
	v2 =	vld [tilespmem:s20+$0x20];
	v10 =	vcombine.low v6, v4;
	v1 =	vperm.xlane.i2c.b16 v7  }
0x54: {  	v4 =	vcombine.high v6, v4;
	v8 =	vperm.xlane.i2c.b16 v8;
	[tilespmem:s17+$0x2040 ss:$0x81] =	vst.msk $0xffff, v9;
	v9 =	vld [tilespmem:s20+$0x30]  }
0x55: {  	v6 =	vld [tilespmem:s20+$0x40];
	v5 =	vperm.xlane.i2c.b16 v5;
	[tilespmem:s17+$0x2041 ss:$0x81] =	vst.msk $0xffff, v12;
	v3 =	vperm.xlane.i2c.b16 v3  }
0x56: {  	[tilespmem:s17+$0x2850 ss:$0x81] =	vst.msk $0xffff, v10;
	v10 =	vld [tilespmem:s20+$0x50];
	v12 =	vcombine.low v0, v1;
	v11 =	vperm.xlane.i2c.b16 v11  }
0x57: {  	[tilespmem:s17+$0x2851 ss:$0x81] =	vst.msk $0xffff, v4;
	v4 =	vld [tilespmem:s20+$0x60];
	v13 =	vcombine.low v5, v3  }
0x58: {  	s31 =	smul.u32 $0x10200, s19;
	s19 =	sadd.s32 $0x2, s17;
	v7 =	vperm.xlane.i2c.b16 v2;
	v2 =	vld [tilespmem:s20+$0x70];
	[tilespmem:s17+$0x3060 ss:$0x81] =	vst.msk $0xffff, v12;
	v12 =	vcombine.low v8, v11  }
0x59: {  	v14 =	vcombine.high v5, v3;
	v5 =	vld [tilespmem:s20+$0x200];
	v9 =	vperm.xlane.i2c.b16 v9;
	[tilespmem:s19+$0x3870 ss:$0x81] =	vst.msk $0xffff, v13  }
0x5a: {  	s22 =	sshrl.u32 s31, $0x2;
	v11 =	vcombine.high v8, v11;
	v3 =	vld [tilespmem:s20+$0x210];
	v8 =	vperm.xlane.i2c.b16 v6;
	[tilespmem:s19+$0x0 ss:$0x81] =	vst.msk $0xffff, v12  }
0x5b: {  	s24 =	simm.s32 $0x200;
	s23 =	simm.s32 $0x2;
	s22 =	sor.u32 $0x8000, s22;
	v6 =	vld [tilespmem:s20+$0x220];
	[tilespmem:s19+$0x3871 ss:$0x81] =	vst.msk $0xffff, v14;
	v10 =	vperm.xlane.i2c.b16 v10;
	v12 =	vcombine.low v7, v9  }
.LBB1_3:
0x5c: {  	s25 =	sand.u32 $0x3C00, s24;
	[tilespmem:s19+$0x1 ss:$0x81] =	vst.msk $0xffff, v11;
	v7 =	vcombine.high v7, v9;
	v4 =	vperm.xlane.i2c.b16 v4;
	v9 =	vld [tilespmem:s20+$0x230];
	s21 =	sadd.s32 $0x80, s21  }
0x5d: {  	v11 =	vcombine.low v8, v10;
	v2 =	vperm.xlane.i2c.b16 v2;
	s26 =	sand.u32 $0x180, s21;
	s25 =	sadd.s32 s25, s18;
	[tilespmem:s19+$0x810 ss:$0x81] =	vst.msk $0xffff, v12;
	v12 =	vld [tilespmem:s20+$0x240]  }
0x5e: {  	s23 =	sadd.s32 $0x2, s23;
	v5 =	vperm.xlane.i2c.b16 v5;
	[tilespmem:s19+$0x811 ss:$0x81] =	vst.msk $0xffff, v7;
	v7 =	vcombine.high v8, v10;
	v8 =	vld [tilespmem:s20+$0x250];
	s20 =	sadd.s32 s26, s25  }
0x5f: {  	v3 =	vperm.xlane.i2c.b16 v3;
	p1 =	slt.u32 s23, $0x7E;
	v10 =	vld [tilespmem:s20+$0x260];
	[tilespmem:s19+$0x1020 ss:$0x81] =	vst.msk $0xffff, v11;
	v11 =	vcombine.low v4, v2  }
0x60: {  	v2 =	vcombine.high v4, v2;
	v4 =	vperm.xlane.i2c.b16 v6;
	v13 =	vld [tilespmem:s20+$0x270];
	[tilespmem:s19+$0x1021 ss:$0x81] =	vst.msk $0xffff, v7  }
0x61: {  	v7 =	vcombine.low v5, v3;
	v6 =	vld [tilespmem:s20+$0x0];
	[tilespmem:s19+$0x1830 ss:$0x81] =	vst.msk $0xffff, v11;
	v9 =	vperm.xlane.i2c.b16 v9  }
0x62: {  	v11 =	vld [tilespmem:s20+$0x10];
	[tilespmem:s19+$0x1831 ss:$0x81] =	vst.msk $0xffff, v2;
	v2 =	vcombine.high v5, v3;
	v3 =	vperm.xlane.i2c.b16 v12  }
0x63: {  	v5 =	vld [tilespmem:s20+$0x20];
	[tilespmem:s19+$0x2040 ss:$0x81] =	vst.msk $0xffff, v7;
	v7 =	vcombine.low v4, v9;
	v8 =	vperm.xlane.i2c.b16 v8  }
0x64: {  	v12 =	vld [tilespmem:s20+$0x30];
	[tilespmem:s19+$0x2041 ss:$0x81] =	vst.msk $0xffff, v2;
	v2 =	vcombine.high v4, v9;
	v9 =	vcombine.high v0, v1;
	v0 =	vmov v3  }
0x65: {  	v10 =	vperm.xlane.i2c.b16 v10;
	v3 =	vld [tilespmem:s20+$0x40];
	v13 =	vperm.xlane.i2c.b16 v13;
	[tilespmem:s19+$0x2850 ss:$0x81] =	vst.msk $0xffff, v7;
	v1 =	vmov v8  }
0x66: {  	v6 =	vperm.xlane.i2c.b16 v6;
	v14 =	vld [tilespmem:s20+$0x50];
	[tilespmem:s19+$0x2851 ss:$0x81] =	vst.msk $0xffff, v2;
	v8 =	vcombine.low v0, v1  }
.Ltmp3:
0x67: {  	v11 =	vperm.xlane.i2c.b16 v11;
	v4 =	vld [tilespmem:s20+$0x60];
	v15 =	vcombine.low v10, v13;
	[tilespmem:s17+$0x3061 ss:$0x81] =	vst.msk $0xffff, v9;
	s17 =	smov.u32 s19;
	(pc) =	sbr.rel @p1 .LBB1_3-.Ltmp3, $4  }
0x68: {  	v10 =	vcombine.high v10, v13;
	s19 =	sadd.s32 $0x2, s19;
	v7 =	vperm.xlane.i2c.b16 v5;
	v2 =	vld [tilespmem:s20+$0x70];
	[tilespmem:s17+$0x3060 ss:$0x81] =	vst.msk $0xffff, v8  }
0x69: {  	v13 =	vcombine.low v6, v11;
	v9 =	vperm.xlane.i2c.b16 v12;
	v5 =	vld [tilespmem:s20+$0x200];
	[tilespmem:s19+$0x3870 ss:$0x81] =	vst.msk $0xffff, v15  }
0x6a: {  	v11 =	vcombine.high v6, v11;
	v8 =	vperm.xlane.i2c.b16 v3;
	v3 =	vld [tilespmem:s20+$0x210];
	[tilespmem:s19+$0x3871 ss:$0x81] =	vst.msk $0xffff, v10  }
0x6b: {  	s24 =	sadd.s32 $0x100, s24;
	[tilespmem:s19+$0x0 ss:$0x81] =	vst.msk $0xffff, v13;
	v12 =	vcombine.low v7, v9;
	v10 =	vperm.xlane.i2c.b16 v14;
	v6 =	vld [tilespmem:s20+$0x220]  }
.Ltmp4:
0x6c: {  	_ = 	snop;
	(pc) =	sbr.rel .LBB1_4-.Ltmp4, $1  }
0x6d: {  	_ =	sdelay $0x3  }
.LBB1_6:
0x6e: {  	_ =	sfence.sel $0x180000  }
0x6f: {  	s1 =	simm.s32 $0x1;
	[bflag:$0x0] =	sbarrier.arrive $0xFFFF  }
0x70: {  	s31 =	simm.s32 $0x2;
	[sflag:s1] =	ssyncpa.u1 $0x1  }
0x71: {  	[sflag:s31] =	ssyncpa.u1 $0x1  }
0x72: {  	p0 =	sne.s32 s0, $0x0;
	_ =	strace $0x9000004A  }
0x73: {  	s0 =	sadd.s32 @!p0 $0x100000, s3;
	[bflag:$0x2] =	sbarrier.arrive $0xFFFF  }
0x74: {  	[sflag:s0] =	ssyncadd.tile.s32 @!p0 $0x1;
	_ =	shalt  }
.Lfunc_end1:
_tile_overlayer_lowered:
.L_overlay_start_2:
0x75: {  	(tag) =	ssettag $0x2  }
0x76: {  	s0 =	rddreg [dreg:$0x0];
	s2 =	stileid.u32  }
0x77: {  	s1 =	rddreg [dreg:$0x1];
	p0 =	sne.s32 s2, $0x0  }
0x78: {  	s3 =	rddreg [dreg:$0x2];
	[bflag:$0x3] =	sbarrier.arrive $0xFFFF;
	s2 =	simm.s32 @!p0 $0x1C01  }
0x79: {  	[timem:s3], [sflag:s2] =	dma.local @!p0 [hbm:s0], s1  }
0x7a: {  	s0 =	simm.s32 @!p0 $0x1  }
0x7b: {  	_ =	swait.ge @!p0 [sflag:s0], s1  }
0x7c: {  	s1 =	ssub.s32 @!p0 $0x0, s1;
	[sflag:s0] =	ssyncset.done @!p0 $0x0  }
0x7d: {  	[sflag:s0] =	ssyncadd.s32 @!p0 s1  }
0x7e: {  	[bflag:$0x3] =	sbarrier.arrive $0xFFFF  }
0x7f: {  	_ =	shalt  }

</sc_bundles>
